<compile_context>
chip_gen: v7x
topology: tpu7x:2x2x1
jax: 0.10.2.dev20260603
libtpu: 0.0.44.dev20260713+nightly
codegen_flags: <defaults>
</compile_context>

<pallas_src>
import functools
import numpy as np
import jax
import jax.numpy as jnp
from jax import lax
from jax.experimental import pallas as pl
from jax.experimental.pallas import tpu as pltpu
from jax.experimental.pallas import tpu_sc as plsc

NA = 10000
NP = 320000
F = 128
G = 16
H = 8
HID = 256

NC = 2
NS = 16
NW = NC * NS
ROW = 125
CPT = NP // (NW * ROW)
PPT = NP // NW
NAP = 10240
RPS = NAP // NS


def _sc_segment_sum(idx2, gs, gv):
  mesh = plsc.VectorSubcoreMesh(core_axis_name="c", subcore_axis_name="s")

  @functools.partial(
      pl.kernel,
      out_type=(jax.ShapeDtypeStruct((NC, NAP, G), jnp.float32),
                jax.ShapeDtypeStruct((NC, NAP, 3 * G), jnp.float32)),
      mesh=mesh,
      scratch_types=[
          pltpu.VMEM((CPT, ROW), jnp.int32),
          pltpu.VMEM((ROW, G), jnp.float32),
          pltpu.VMEM((ROW, G), jnp.float32),
          pltpu.VMEM((ROW, 3 * G), jnp.float32),
          pltpu.VMEM((ROW, 3 * G), jnp.float32),
          pltpu.VMEM((RPS, G), jnp.float32),
          pltpu.VMEM((RPS, 3 * G), jnp.float32),
          pltpu.VMEM_SHARED((NAP, G), jnp.float32),
          pltpu.VMEM_SHARED((NAP, 3 * G), jnp.float32),
          pltpu.SemaphoreType.DMA,
          pltpu.SemaphoreType.DMA,
          pltpu.SemaphoreType.DMA,
          pltpu.SemaphoreType.DMA,
      ],
      compiler_params=pltpu.CompilerParams(use_tc_tiling_on_sc=False),
  )
  def seg(idx_hbm, gs_hbm, gv_hbm, ogs_hbm, ogv_hbm,
          idx_v, gs_v0, gs_v1, gv_v0, gv_v1, sgs_v, sgv_v,
          acc_gs, acc_gv, sem0, sem1, ssem0, ssem1):
    c = lax.axis_index("c")
    s = lax.axis_index("s")
    w = s * NC + c
    z16 = jnp.zeros((16,), jnp.float32)

    def zrow(r, carry):
      sgs_v[r] = z16
      for k in range(3):
        sgv_v[r, pl.ds(k * 16, 16)] = z16
      return carry
    lax.fori_loop(0, RPS, zrow, 0)
    pltpu.sync_copy(sgs_v, acc_gs.at[pl.ds(s * RPS, RPS)])
    pltpu.sync_copy(sgv_v, acc_gv.at[pl.ds(s * RPS, RPS)])
    plsc.subcore_barrier()

    pltpu.sync_copy(idx_hbm.at[pl.ds(w * CPT, CPT)], idx_v)

    def start_loads(j, gs_b, gv_b, sem):
      base = w * PPT + j * ROW
      pltpu.async_copy(gs_hbm.at[pl.ds(base, ROW)], gs_b, sem)
      pltpu.async_copy(gv_hbm.at[pl.ds(base, ROW)], gv_b, sem)

    def wait_loads(j, gs_b, gv_b, sem):
      base = w * PPT + j * ROW
      pltpu.make_async_copy(gs_hbm.at[pl.ds(base, ROW)], gs_b, sem).wait()
      pltpu.make_async_copy(gv_hbm.at[pl.ds(base, ROW)], gv_b, sem).wait()

    def start_scatters(j, gs_b, gv_b, ssem):
      pltpu.async_copy(gs_b, acc_gs.at[idx_v.at[j]], ssem, add=True)
      pltpu.async_copy(gv_b, acc_gv.at[idx_v.at[j]], ssem, add=True)

    def wait_scatters(j, gs_b, gv_b, ssem):
      pltpu.make_async_copy(gs_b, acc_gs.at[idx_v.at[j]], ssem).wait()
      pltpu.make_async_copy(gv_b, acc_gv.at[idx_v.at[j]], ssem).wait()

    start_loads(0, gs_v0, gv_v0, sem0)

    def chunk2(t, carry):
      j0 = 2 * t
      j1 = 2 * t + 1
      wait_loads(j0, gs_v0, gv_v0, sem0)
      start_loads(j1, gs_v1, gv_v1, sem1)
      start_scatters(j0, gs_v0, gv_v0, ssem0)
      wait_loads(j1, gs_v1, gv_v1, sem1)
      wait_scatters(j0, gs_v0, gv_v0, ssem0)

      @pl.when(t < CPT // 2 - 1)
      def _():
        start_loads(j0 + 2, gs_v0, gv_v0, sem0)

      start_scatters(j1, gs_v1, gv_v1, ssem1)
      wait_scatters(j1, gs_v1, gv_v1, ssem1)
      return carry
    lax.fori_loop(0, CPT // 2, chunk2, 0)
    plsc.subcore_barrier()

    pltpu.sync_copy(acc_gs.at[pl.ds(s * RPS, RPS)], sgs_v)
    pltpu.sync_copy(sgs_v, ogs_hbm.at[c, pl.ds(s * RPS, RPS)])
    pltpu.sync_copy(acc_gv.at[pl.ds(s * RPS, RPS)], sgv_v)
    pltpu.sync_copy(sgv_v, ogv_hbm.at[c, pl.ds(s * RPS, RPS)])

  return seg(idx2, gs, gv)


_BB = 1000


def _gelu_exact(x):
  return 0.5 * x * (1.0 + lax.erf(x * np.float32(0.7071067811865476)))


def _tc_body(emb_r, q_r, pgs_r, pgv_r, wgsT_r, agh2_r, e16_r, s128_r,
             w1aT_r, w1bT_r, w1cT_r, b1_r, w2T_r, b2_r,
             w3aT_r, w3bT_r, b3a_r, b3b_r, oa_r, oqf_r):
  f32 = jnp.float32
  e = emb_r[...]
  gsum = pgs_r[0] + pgs_r[1]
  mapped = jnp.dot(gsum, wgsT_r[...], preferred_element_type=f32)
  t = jnp.dot(e, agh2_r[...], preferred_element_type=f32)
  gvsum = pgv_r[0] + pgv_r[1]
  sq = None
  for d in range(3):
    gvd = gvsum[:, d * G:(d + 1) * G]
    gexp = jnp.dot(gvd, e16_r[...], preferred_element_type=f32)
    ad = jnp.dot(gexp * t, s128_r[...], preferred_element_type=f32)
    sq = ad * ad if sq is None else sq + ad * ad
  vec = jnp.sqrt(sq)
  radial = e * mapped
  radial_q = q_r[...] * mapped
  h1 = (jnp.dot(radial, w1aT_r[...], preferred_element_type=f32)
        + jnp.dot(vec, w1bT_r[...], preferred_element_type=f32)
        + jnp.dot(radial_q, w1cT_r[...], preferred_element_type=f32)
        + b1_r[...])
  h1 = _gelu_exact(h1)
  h2 = _gelu_exact(jnp.dot(h1, w2T_r[...], preferred_element_type=f32)
                   + b2_r[...])
  oa_r[...] = jnp.dot(h2, w3aT_r[...], preferred_element_type=f32) + b3a_r[...]
  oqf_r[...] = jnp.dot(h2, w3bT_r[...], preferred_element_type=f32) + b3b_r[...]


def _tc_dense(emb, q, pgs, pgv, wgsT, agh2, e16, s128,
              w1aT, w1bT, w1cT, b1r, w2T, b2r, w3aT, w3bT, b3a, b3b):
  nblk = NA // _BB
  full = lambda a: pl.BlockSpec(a.shape, lambda i: tuple(0 for _ in a.shape))
  return pl.pallas_call(
      _tc_body,
      grid=(nblk,),
      in_specs=[
          pl.BlockSpec((_BB, F), lambda i: (i, 0)),
          pl.BlockSpec((_BB, 1), lambda i: (i, 0)),
          pl.BlockSpec((NC, _BB, G), lambda i: (0, i, 0)),
          pl.BlockSpec((NC, _BB, 3 * G), lambda i: (0, i, 0)),
          full(wgsT), full(agh2), full(e16), full(s128),
          full(w1aT), full(w1bT), full(w1cT), full(b1r),
          full(w2T), full(b2r), full(w3aT), full(w3bT), full(b3a), full(b3b),
      ],
      out_specs=[
          pl.BlockSpec((_BB, F), lambda i: (i, 0)),
          pl.BlockSpec((_BB, H), lambda i: (i, 0)),
      ],
      out_shape=[
          jax.ShapeDtypeStruct((NA, F), jnp.float32),
          jax.ShapeDtypeStruct((NA, H), jnp.float32),
      ],
      compiler_params=pltpu.CompilerParams(
          dimension_semantics=("parallel",)),
  )(emb, q, pgs, pgv, wgsT, agh2, e16, s128,
    w1aT, w1bT, w1cT, b1r, w2T, b2r, w3aT, w3bT, b3a, b3b)


_E16 = np.repeat(np.eye(G, dtype=np.float32), H, axis=1)
_S128 = np.tile(np.eye(H, dtype=np.float32), (G, 1))


def kernel(atomic_embedding, partial_charges, pair_indices, gs, gv, agh,
           W_gs, W1, b1, W2, b2, W3, b3):
  idx2 = pair_indices[1].reshape(NW * CPT, ROW)
  pgs, pgv = _sc_segment_sum(idx2, gs, gv.reshape(NP, 3 * G))

  wgsT = W_gs.T
  agh2 = agh.reshape(F, G * H)
  w1aT = W1[:, 0:F].T
  w1bT = W1[:, F:F + H].T
  w1cT = W1[:, F + H:2 * F + H].T
  w2T = W2.T
  w3aT = W3[2:].T
  w3bT = jnp.zeros((HID, H), jnp.float32).at[:, 0:2].set(W3[0:2].T)
  b1r = b1.reshape(1, HID)
  b2r = b2.reshape(1, HID)
  b3a = b3[2:].reshape(1, F)
  b3b = jnp.zeros((1, H), jnp.float32).at[0, 0:2].set(b3[0:2])

  oa, oqf = _tc_dense(atomic_embedding, partial_charges, pgs, pgv,
                      wgsT, agh2, jnp.asarray(_E16), jnp.asarray(_S128),
                      w1aT, w1bT, w1cT, b1r, w2T, b2r, w3aT, w3bT, b3a, b3b)
  return (oa, oqf[:, 0:1], oqf[:, 1:2])

# --- scband reference (transcript-rebuilt; emitter-appended) ---
"""Pipeline reference for scband-aim-net2-core-52845277610672 (READ-ONLY COPY).

The authoritative reference and input builder live on the scoring server;
editing this copy changes nothing except your own understanding.
"""

import jax, jax.numpy as jnp
import numpy as np

N_ATOMS = 10000
N_PAIRS = 320000
F = 128
G = 16
H = 8
HID = 256
N_IN = F + H + F + H  # 272, is_first_module=False
N_OUT = F + 2  # 130


def _gelu(x):
    return jax.nn.gelu(x, approximate=False)


def setup_inputs(seed: int = 0) -> dict:
    key = jax.random.key(seed)
    ks = jax.random.split(key, 16)
    atomic_embedding = jax.random.normal(ks[0], (N_ATOMS, F), dtype=jnp.float32)
    partial_charges = jax.random.normal(ks[1], (N_ATOMS, 1), dtype=jnp.float32)
    pair_indices = jax.random.randint(ks[2], (2, N_PAIRS), 0, N_ATOMS, dtype=jnp.int32)
    gs = jax.random.uniform(ks[3], (N_PAIRS, G), dtype=jnp.float32)
    gv = jax.random.normal(ks[4], (N_PAIRS, 3, G), dtype=jnp.float32)
    agh = jax.random.normal(ks[5], (F, G, H), dtype=jnp.float32) * 0.05
    # learned parameters
    W_gs = jax.random.normal(ks[6], (F, G), dtype=jnp.float32) * (1.0 / np.sqrt(G))
    W1 = jax.random.normal(ks[7], (HID, N_IN), dtype=jnp.float32) * (1.0 / np.sqrt(N_IN))
    b1 = jnp.zeros((HID,), dtype=jnp.float32)
    W2 = jax.random.normal(ks[8], (HID, HID), dtype=jnp.float32) * (1.0 / np.sqrt(HID))
    b2 = jnp.zeros((HID,), dtype=jnp.float32)
    W3 = jax.random.normal(ks[9], (N_OUT, HID), dtype=jnp.float32) * (1.0 / np.sqrt(HID))
    b3 = jnp.zeros((N_OUT,), dtype=jnp.float32)
    return {"atomic_embedding": atomic_embedding, "partial_charges": partial_charges,
            "pair_indices": pair_indices, "gs": gs, "gv": gv, "agh": agh,
            "W_gs": W_gs, "W1": W1, "b1": b1, "W2": W2, "b2": b2, "W3": W3, "b3": b3}


def reference(atomic_embedding, partial_charges, pair_indices, gs, gv, agh,
              W_gs, W1, b1, W2, b2, W3, b3):
    idx_j = pair_indices[1]
    n_atoms = atomic_embedding.shape[0]
    mapped_gs = gs @ W_gs.T  # (P, F), gs_to_fatom (no bias)

    # --- contributions from atomic_embedding (with vector contributions) ---
    a_j = atomic_embedding[idx_j]  # gather (P, F)
    avf_s = a_j * mapped_gs
    radial_emb = jnp.zeros((n_atoms, F), dtype=avf_s.dtype).at[idx_j].add(avf_s)
    avf_v = jnp.einsum('pa,pdg,agh->phd', a_j, gv, agh)  # (P, H, 3)
    avf_v_sum = jnp.zeros((n_atoms, H, 3), dtype=avf_v.dtype).at[idx_j].add(avf_v)
    vector_emb = jnp.linalg.norm(avf_v_sum, axis=-1)  # (N, H)

    # --- contributions from partial charges (no vector contributions) ---
    q_j = partial_charges[idx_j]  # (P, 1)
    avf_sq = q_j * mapped_gs  # broadcast -> (P, F)
    radial_q = jnp.zeros((n_atoms, F), dtype=avf_sq.dtype).at[idx_j].add(avf_sq)
    vector_q = jnp.zeros((n_atoms, H), dtype=atomic_embedding.dtype)

    combined = jnp.concatenate([radial_emb, vector_emb, radial_q, vector_q], axis=1)  # (N, 272)

    h = _gelu(combined @ W1.T + b1)
    h = _gelu(h @ W2.T + b2)
    out = h @ W3.T + b3  # (N, 130)

    delta_q = out[:, 0:1]
    f = out[:, 1:2]
    delta_a = out[:, 2:]
    return (delta_a, delta_q, f)

if __name__ == "__main__":
    import jax
    _d = setup_inputs()
    print(jax.jit(kernel)(*tuple(_d.values())))

</pallas_src>

<mosaic_0001>
#map = affine_map<(d0, d1) -> (0, 0)>
#map1 = affine_map<(d0, d1) -> (0, 0, 0)>
module attributes {stable_mosaic.version = 14 : i64} {
  func.func @seg(%arg0: i32, %arg1: i32, %arg2: memref<2560x125xi32, #tpu.memory_space<hbm>>, %arg3: memref<320000x16xf32, #tpu.memory_space<hbm>>, %arg4: memref<320000x48xf32, #tpu.memory_space<hbm>>, %arg5: memref<2x10240x16xf32, #tpu.memory_space<hbm>>, %arg6: memref<2x10240x48xf32, #tpu.memory_space<hbm>>, %arg7: memref<80x125xi32, #tpu.memory_space<vmem>>, %arg8: memref<125x16xf32, #tpu.memory_space<vmem>>, %arg9: memref<125x16xf32, #tpu.memory_space<vmem>>, %arg10: memref<125x48xf32, #tpu.memory_space<vmem>>, %arg11: memref<125x48xf32, #tpu.memory_space<vmem>>, %arg12: memref<640x16xf32, #tpu.memory_space<vmem>>, %arg13: memref<640x48xf32, #tpu.memory_space<vmem>>, %arg14: memref<10240x16xf32, #tpu.memory_space<vmem_shared>>, %arg15: memref<10240x48xf32, #tpu.memory_space<vmem_shared>>, %arg16: memref<!tpu.dma_semaphore, #tpu.memory_space<semaphore_mem>>, %arg17: memref<!tpu.dma_semaphore, #tpu.memory_space<semaphore_mem>>, %arg18: memref<!tpu.dma_semaphore, #tpu.memory_space<semaphore_mem>>, %arg19: memref<!tpu.dma_semaphore, #tpu.memory_space<semaphore_mem>>) attributes {dimension_semantics = [#tpu.dimension_semantics<core_parallel>, #tpu.dimension_semantics<subcore_parallel>], iteration_bounds = array<i64: 2, 16>, scalar_prefetch = 0 : i64, scratch_operands = 13 : i64, tpu.core_type = #tpu.core_type<sc_vector_subcore>, window_params = [{transform_indices = #map}, {transform_indices = #map}, {transform_indices = #map}, {transform_indices = #map1}, {transform_indices = #map1}]} {
    %mul3A = arith.constant 2 : i32
    %mul3A_0 = arith.muli %arg1, %mul3A : i32
    %add3A = arith.addi %mul3A_0, %arg0 : i32
    %broadcast_in_dim3A = arith.constant 0.000000e+00 : f32
    %broadcast_in_dim3A_1 = vector.broadcast %broadcast_in_dim3A : f32 to vector<16xf32>
    %scan3A = arith.constant 0 : i32
    %scan3A_2 = arith.constant 0 : i32
    %scan3A_3 = arith.constant 640 : i32
    %scan3A_4 = arith.addi %scan3A_2, %scan3A_3 : i32
    %scan3A_5 = arith.constant 1 : i32
    scf.for %scan3A_39 = %scan3A_2 to %scan3A_4 step %scan3A_5  : i32 {
      %swap3A = arith.index_cast %scan3A_39 : i32 to index
      %swap3A_40 = arith.constant 0 : index
      %swap3A_41 = tpu.vector_load %arg12[%swap3A, %swap3A_40] {strides = array<i32>} : memref<640x16xf32, #tpu.memory_space<vmem>>, vector<1x16xf32>,
      %swap3A_42 = vector.shape_cast %swap3A_41 : vector<1x16xf32> to vector<16xf32>
      %swap3A_43 = vector.shape_cast %broadcast_in_dim3A_1 : vector<16xf32> to vector<1x16xf32>
      tpu.vector_store %arg12[%swap3A, %swap3A_40], %swap3A_43 {strides = array<i32>} : memref<640x16xf32, #tpu.memory_space<vmem>>, vector<1x16xf32>,
      %swap3A_44 = arith.index_cast %scan3A_39 : i32 to index
      %swap3A_45 = arith.constant 0 : index
      %swap3A_46 = tpu.vector_load %arg13[%swap3A_44, %swap3A_45] {strides = array<i32>} : memref<640x48xf32, #tpu.memory_space<vmem>>, vector<1x16xf32>,
      %swap3A_47 = vector.shape_cast %swap3A_46 : vector<1x16xf32> to vector<16xf32>
      %swap3A_48 = vector.shape_cast %broadcast_in_dim3A_1 : vector<16xf32> to vector<1x16xf32>
      tpu.vector_store %arg13[%swap3A_44, %swap3A_45], %swap3A_48 {strides = array<i32>} : memref<640x48xf32, #tpu.memory_space<vmem>>, vector<1x16xf32>,
      %swap3A_49 = arith.index_cast %scan3A_39 : i32 to index
      %swap3A_50 = arith.constant 16 : index
      %swap3A_51 = tpu.vector_load %arg13[%swap3A_49, %swap3A_50] {strides = array<i32>} : memref<640x48xf32, #tpu.memory_space<vmem>>, vector<1x16xf32>,
      %swap3A_52 = vector.shape_cast %swap3A_51 : vector<1x16xf32> to vector<16xf32>
      %swap3A_53 = vector.shape_cast %broadcast_in_dim3A_1 : vector<16xf32> to vector<1x16xf32>
      tpu.vector_store %arg13[%swap3A_49, %swap3A_50], %swap3A_53 {strides = array<i32>} : memref<640x48xf32, #tpu.memory_space<vmem>>, vector<1x16xf32>,
      %swap3A_54 = arith.index_cast %scan3A_39 : i32 to index
      %swap3A_55 = arith.constant 32 : index
      %swap3A_56 = tpu.vector_load %arg13[%swap3A_54, %swap3A_55] {strides = array<i32>} : memref<640x48xf32, #tpu.memory_space<vmem>>, vector<1x16xf32>,
      %swap3A_57 = vector.shape_cast %swap3A_56 : vector<1x16xf32> to vector<16xf32>
      %swap3A_58 = vector.shape_cast %broadcast_in_dim3A_1 : vector<16xf32> to vector<1x16xf32>
      tpu.vector_store %arg13[%swap3A_54, %swap3A_55], %swap3A_58 {strides = array<i32>} : memref<640x48xf32, #tpu.memory_space<vmem>>, vector<1x16xf32>,
    }
    %scan3A_6 = arith.constant 640 : i32
    %mul3A_7 = arith.constant 640 : i32
    %mul3A_8 = arith.muli %arg1, %mul3A_7 : i32
    "tpu.region"() ({
      %run_scoped3A = tpu.sem_alloc : memref<!tpu.dma_semaphore, #tpu.memory_space<semaphore_mem>>
      %dma_start3A_39 = arith.constant 0 : i32
      %dma_start3A_40 = tpu.memref_slice %arg14[%mul3A_8, %dma_start3A_39] : memref<10240x16xf32, #tpu.memory_space<vmem_shared>> -> memref<640x16xf32, #tpu.memory_space<vmem_shared>>
      %dma_start3A_41 = arith.constant 0 : i32
      %dma_start3A_42 = tpu.memref_slice %arg14[%mul3A_8, %dma_start3A_41] : memref<10240x16xf32, #tpu.memory_space<vmem_shared>> -> memref<640x16xf32, #tpu.memory_space<vmem_shared>>
      tpu.enqueue_dma source(%arg12 : memref<640x16xf32, #tpu.memory_space<vmem>>) target(%dma_start3A_42 : memref<640x16xf32, #tpu.memory_space<vmem_shared>>) target_semaphore(%run_scoped3A : memref<!tpu.dma_semaphore, #tpu.memory_space<semaphore_mem>>)
      %dma_wait3A = arith.constant 0 : i32
      %dma_wait3A_43 = tpu.memref_slice %arg14[%mul3A_8, %dma_wait3A] : memref<10240x16xf32, #tpu.memory_space<vmem_shared>> -> memref<640x16xf32, #tpu.memory_space<vmem_shared>>
      %dma_wait3A_44 = arith.constant 0 : i32
      %dma_wait3A_45 = tpu.memref_slice %arg14[%mul3A_8, %dma_wait3A_44] : memref<10240x16xf32, #tpu.memory_space<vmem_shared>> -> memref<640x16xf32, #tpu.memory_space<vmem_shared>>
      tpu.wait_dma2 semaphore(%run_scoped3A : memref<!tpu.dma_semaphore, #tpu.memory_space<semaphore_mem>>) src(%arg12 : memref<640x16xf32, #tpu.memory_space<vmem>>) dst(%dma_wait3A_45 : memref<640x16xf32, #tpu.memory_space<vmem_shared>>)
      tpu.yield
    }) : () -> ()
    %mul3A_9 = arith.constant 640 : i32
    %mul3A_10 = arith.muli %arg1, %mul3A_9 : i32
    "tpu.region"() ({
      %run_scoped3A = tpu.sem_alloc : memref<!tpu.dma_semaphore, #tpu.memory_space<semaphore_mem>>
      %dma_start3A_39 = arith.constant 0 : i32
      %dma_start3A_40 = tpu.memref_slice %arg15[%mul3A_10, %dma_start3A_39] : memref<10240x48xf32, #tpu.memory_space<vmem_shared>> -> memref<640x48xf32, #tpu.memory_space<vmem_shared>>
      %dma_start3A_41 = arith.constant 0 : i32
      %dma_start3A_42 = tpu.memref_slice %arg15[%mul3A_10, %dma_start3A_41] : memref<10240x48xf32, #tpu.memory_space<vmem_shared>> -> memref<640x48xf32, #tpu.memory_space<vmem_shared>>
      tpu.enqueue_dma source(%arg13 : memref<640x48xf32, #tpu.memory_space<vmem>>) target(%dma_start3A_42 : memref<640x48xf32, #tpu.memory_space<vmem_shared>>) target_semaphore(%run_scoped3A : memref<!tpu.dma_semaphore, #tpu.memory_space<semaphore_mem>>)
      %dma_wait3A = arith.constant 0 : i32
      %dma_wait3A_43 = tpu.memref_slice %arg15[%mul3A_10, %dma_wait3A] : memref<10240x48xf32, #tpu.memory_space<vmem_shared>> -> memref<640x48xf32, #tpu.memory_space<vmem_shared>>
      %dma_wait3A_44 = arith.constant 0 : i32
      %dma_wait3A_45 = tpu.memref_slice %arg15[%mul3A_10, %dma_wait3A_44] : memref<10240x48xf32, #tpu.memory_space<vmem_shared>> -> memref<640x48xf32, #tpu.memory_space<vmem_shared>>
      tpu.wait_dma2 semaphore(%run_scoped3A : memref<!tpu.dma_semaphore, #tpu.memory_space<semaphore_mem>>) src(%arg13 : memref<640x48xf32, #tpu.memory_space<vmem>>) dst(%dma_wait3A_45 : memref<640x48xf32, #tpu.memory_space<vmem_shared>>)
      tpu.yield
    }) : () -> ()
    %barrier3A = arith.constant 0 : index
    tpu.barrier barrier_id(%barrier3A)
    %mul3A_11 = arith.constant 80 : i32
    %mul3A_12 = arith.muli %add3A, %mul3A_11 : i32
    "tpu.region"() ({
      %run_scoped3A = tpu.sem_alloc : memref<!tpu.dma_semaphore, #tpu.memory_space<semaphore_mem>>
      %dma_start3A_39 = arith.constant 0 : i32
      %dma_start3A_40 = tpu.memref_slice %arg2[%mul3A_12, %dma_start3A_39] : memref<2560x125xi32, #tpu.memory_space<hbm>> -> memref<80x125xi32, #tpu.memory_space<hbm>>
      %dma_start3A_41 = arith.constant 0 : i32
      %dma_start3A_42 = tpu.memref_slice %arg2[%mul3A_12, %dma_start3A_41] : memref<2560x125xi32, #tpu.memory_space<hbm>> -> memref<80x125xi32, #tpu.memory_space<hbm>>
      tpu.enqueue_dma source(%dma_start3A_42 : memref<80x125xi32, #tpu.memory_space<hbm>>) target(%arg7 : memref<80x125xi32, #tpu.memory_space<vmem>>) target_semaphore(%run_scoped3A : memref<!tpu.dma_semaphore, #tpu.memory_space<semaphore_mem>>)
      %dma_wait3A = arith.constant 0 : i32
      %dma_wait3A_43 = tpu.memref_slice %arg2[%mul3A_12, %dma_wait3A] : memref<2560x125xi32, #tpu.memory_space<hbm>> -> memref<80x125xi32, #tpu.memory_space<hbm>>
      %dma_wait3A_44 = arith.constant 0 : i32
      %dma_wait3A_45 = tpu.memref_slice %arg2[%mul3A_12, %dma_wait3A_44] : memref<2560x125xi32, #tpu.memory_space<hbm>> -> memref<80x125xi32, #tpu.memory_space<hbm>>
      tpu.wait_dma2 semaphore(%run_scoped3A : memref<!tpu.dma_semaphore, #tpu.memory_space<semaphore_mem>>) src(%dma_wait3A_45 : memref<80x125xi32, #tpu.memory_space<hbm>>) dst(%arg7 : memref<80x125xi32, #tpu.memory_space<vmem>>)
      tpu.yield
    }) : () -> ()
    %mul3A_13 = arith.constant 10000 : i32
    %mul3A_14 = arith.muli %add3A, %mul3A_13 : i32
    %add3A_15 = arith.constant 0 : i32
    %add3A_16 = arith.addi %mul3A_14, %add3A_15 : i32
    %dma_start3A = arith.constant 0 : i32
    %dma_start3A_17 = tpu.memref_slice %arg3[%add3A_16, %dma_start3A] : memref<320000x16xf32, #tpu.memory_space<hbm>> -> memref<125x16xf32, #tpu.memory_space<hbm>>
    %dma_start3A_18 = arith.constant 0 : i32
    %dma_start3A_19 = tpu.memref_slice %arg3[%add3A_16, %dma_start3A_18] : memref<320000x16xf32, #tpu.memory_space<hbm>> -> memref<125x16xf32, #tpu.memory_space<hbm>>
    tpu.enqueue_dma source(%dma_start3A_19 : memref<125x16xf32, #tpu.memory_space<hbm>>) target(%arg8 : memref<125x16xf32, #tpu.memory_space<vmem>>) target_semaphore(%arg16 : memref<!tpu.dma_semaphore, #tpu.memory_space<semaphore_mem>>)
    %dma_start3A_20 = arith.constant 0 : i32
    %dma_start3A_21 = tpu.memref_slice %arg4[%add3A_16, %dma_start3A_20] : memref<320000x48xf32, #tpu.memory_space<hbm>> -> memref<125x48xf32, #tpu.memory_space<hbm>>
    %dma_start3A_22 = arith.constant 0 : i32
    %dma_start3A_23 = tpu.memref_slice %arg4[%add3A_16, %dma_start3A_22] : memref<320000x48xf32, #tpu.memory_space<hbm>> -> memref<125x48xf32, #tpu.memory_space<hbm>>
    tpu.enqueue_dma source(%dma_start3A_23 : memref<125x48xf32, #tpu.memory_space<hbm>>) target(%arg10 : memref<125x48xf32, #tpu.memory_space<vmem>>) target_semaphore(%arg16 : memref<!tpu.dma_semaphore, #tpu.memory_space<semaphore_mem>>)
    %scan3A_24 = arith.constant 0 : i32
    %scan3A_25 = arith.constant 0 : i32
    %scan3A_26 = arith.constant 40 : i32
    %scan3A_27 = arith.addi %scan3A_25, %scan3A_26 : i32
    %scan3A_28 = arith.constant 1 : i32
    scf.for %scan3A_39 = %scan3A_25 to %scan3A_27 step %scan3A_28  : i32 {
      %mul3A_40 = arith.constant 2 : i32
      %mul3A_41 = arith.muli %mul3A_40, %scan3A_39 : i32
      %mul3A_42 = arith.constant 2 : i32
      %mul3A_43 = arith.muli %mul3A_42, %scan3A_39 : i32
      %add3A_44 = arith.constant 1 : i32
      %add3A_45 = arith.addi %mul3A_43, %add3A_44 : i32
      %mul3A_46 = arith.constant 10000 : i32
      %mul3A_47 = arith.muli %add3A, %mul3A_46 : i32
      %mul3A_48 = arith.constant 125 : i32
      %mul3A_49 = arith.muli %mul3A_41, %mul3A_48 : i32
      %add3A_50 = arith.addi %mul3A_47, %mul3A_49 : i32
      %dma_wait3A = arith.constant 0 : i32
      %dma_wait3A_51 = tpu.memref_slice %arg3[%add3A_50, %dma_wait3A] : memref<320000x16xf32, #tpu.memory_space<hbm>> -> memref<125x16xf32, #tpu.memory_space<hbm>>
      %dma_wait3A_52 = arith.constant 0 : i32
      %dma_wait3A_53 = tpu.memref_slice %arg3[%add3A_50, %dma_wait3A_52] : memref<320000x16xf32, #tpu.memory_space<hbm>> -> memref<125x16xf32, #tpu.memory_space<hbm>>
      tpu.wait_dma2 semaphore(%arg16 : memref<!tpu.dma_semaphore, #tpu.memory_space<semaphore_mem>>) src(%dma_wait3A_53 : memref<125x16xf32, #tpu.memory_space<hbm>>) dst(%arg8 : memref<125x16xf32, #tpu.memory_space<vmem>>)
      %dma_wait3A_54 = arith.constant 0 : i32
      %dma_wait3A_55 = tpu.memref_slice %arg4[%add3A_50, %dma_wait3A_54] : memref<320000x48xf32, #tpu.memory_space<hbm>> -> memref<125x48xf32, #tpu.memory_space<hbm>>
      %dma_wait3A_56 = arith.constant 0 : i32
      %dma_wait3A_57 = tpu.memref_slice %arg4[%add3A_50, %dma_wait3A_56] : memref<320000x48xf32, #tpu.memory_space<hbm>> -> memref<125x48xf32, #tpu.memory_space<hbm>>
      tpu.wait_dma2 semaphore(%arg16 : memref<!tpu.dma_semaphore, #tpu.memory_space<semaphore_mem>>) src(%dma_wait3A_57 : memref<125x48xf32, #tpu.memory_space<hbm>>) dst(%arg10 : memref<125x48xf32, #tpu.memory_space<vmem>>)
      %mul3A_58 = arith.constant 10000 : i32
      %mul3A_59 = arith.muli %add3A, %mul3A_58 : i32
      %mul3A_60 = arith.constant 125 : i32
      %mul3A_61 = arith.muli %add3A_45, %mul3A_60 : i32
      %add3A_62 = arith.addi %mul3A_59, %mul3A_61 : i32
      %dma_start3A_63 = arith.constant 0 : i32
      %dma_start3A_64 = tpu.memref_slice %arg3[%add3A_62, %dma_start3A_63] : memref<320000x16xf32, #tpu.memory_space<hbm>> -> memref<125x16xf32, #tpu.memory_space<hbm>>
      %dma_start3A_65 = arith.constant 0 : i32
      %dma_start3A_66 = tpu.memref_slice %arg3[%add3A_62, %dma_start3A_65] : memref<320000x16xf32, #tpu.memory_space<hbm>> -> memref<125x16xf32, #tpu.memory_space<hbm>>
      tpu.enqueue_dma source(%dma_start3A_66 : memref<125x16xf32, #tpu.memory_space<hbm>>) target(%arg9 : memref<125x16xf32, #tpu.memory_space<vmem>>) target_semaphore(%arg17 : memref<!tpu.dma_semaphore, #tpu.memory_space<semaphore_mem>>)
      %dma_start3A_67 = arith.constant 0 : i32
      %dma_start3A_68 = tpu.memref_slice %arg4[%add3A_62, %dma_start3A_67] : memref<320000x48xf32, #tpu.memory_space<hbm>> -> memref<125x48xf32, #tpu.memory_space<hbm>>
      %dma_start3A_69 = arith.constant 0 : i32
      %dma_start3A_70 = tpu.memref_slice %arg4[%add3A_62, %dma_start3A_69] : memref<320000x48xf32, #tpu.memory_space<hbm>> -> memref<125x48xf32, #tpu.memory_space<hbm>>
      tpu.enqueue_dma source(%dma_start3A_70 : memref<125x48xf32, #tpu.memory_space<hbm>>) target(%arg11 : memref<125x48xf32, #tpu.memory_space<vmem>>) target_semaphore(%arg17 : memref<!tpu.dma_semaphore, #tpu.memory_space<semaphore_mem>>)
      %dma_start3A_71 = arith.constant 0 : i32
      %dma_start3A_72 = tpu.memref_slice %arg7[%mul3A_41, %dma_start3A_71] : memref<80x125xi32, #tpu.memory_space<vmem>> -> memref<1x125xi32, #tpu.memory_space<vmem>>
      %dma_start3A_73 = tpu.memref_squeeze %dma_start3A_72 : memref<1x125xi32, #tpu.memory_space<vmem>> -> memref<125xi32, #tpu.memory_space<vmem>>
      %dma_start3A_74 = arith.constant 0 : i32
      %dma_start3A_75 = arith.constant 0 : i32
      %dma_start3A_76 = tpu.memref_slice %arg14[%dma_start3A_74, %dma_start3A_75] : memref<10240x16xf32, #tpu.memory_space<vmem_shared>> -> memref<10240x16xf32, #tpu.memory_space<vmem_shared>>
      tpu.enqueue_indirect_dma source(%arg8 : memref<125x16xf32, #tpu.memory_space<vmem>>) target(%dma_start3A_76 : memref<10240x16xf32, #tpu.memory_space<vmem_shared>>) offsets(%dma_start3A_73 : memref<125xi32, #tpu.memory_space<vmem>>) semaphore(%arg18 : memref<!tpu.dma_semaphore, #tpu.memory_space<semaphore_mem>>) {add = true}
      %dma_start3A_77 = arith.constant 0 : i32
      %dma_start3A_78 = tpu.memref_slice %arg7[%mul3A_41, %dma_start3A_77] : memref<80x125xi32, #tpu.memory_space<vmem>> -> memref<1x125xi32, #tpu.memory_space<vmem>>
      %dma_start3A_79 = tpu.memref_squeeze %dma_start3A_78 : memref<1x125xi32, #tpu.memory_space<vmem>> -> memref<125xi32, #tpu.memory_space<vmem>>
      %dma_start3A_80 = arith.constant 0 : i32
      %dma_start3A_81 = arith.constant 0 : i32
      %dma_start3A_82 = tpu.memref_slice %arg15[%dma_start3A_80, %dma_start3A_81] : memref<10240x48xf32, #tpu.memory_space<vmem_shared>> -> memref<10240x48xf32, #tpu.memory_space<vmem_shared>>
      tpu.enqueue_indirect_dma source(%arg10 : memref<125x48xf32, #tpu.memory_space<vmem>>) target(%dma_start3A_82 : memref<10240x48xf32, #tpu.memory_space<vmem_shared>>) offsets(%dma_start3A_79 : memref<125xi32, #tpu.memory_space<vmem>>) semaphore(%arg18 : memref<!tpu.dma_semaphore, #tpu.memory_space<semaphore_mem>>) {add = true}
      %mul3A_83 = arith.constant 10000 : i32
      %mul3A_84 = arith.muli %add3A, %mul3A_83 : i32
      %mul3A_85 = arith.constant 125 : i32
      %mul3A_86 = arith.muli %add3A_45, %mul3A_85 : i32
      %add3A_87 = arith.addi %mul3A_84, %mul3A_86 : i32
      %dma_wait3A_88 = arith.constant 0 : i32
      %dma_wait3A_89 = tpu.memref_slice %arg3[%add3A_87, %dma_wait3A_88] : memref<320000x16xf32, #tpu.memory_space<hbm>> -> memref<125x16xf32, #tpu.memory_space<hbm>>
      %dma_wait3A_90 = arith.constant 0 : i32
      %dma_wait3A_91 = tpu.memref_slice %arg3[%add3A_87, %dma_wait3A_90] : memref<320000x16xf32, #tpu.memory_space<hbm>> -> memref<125x16xf32, #tpu.memory_space<hbm>>
      tpu.wait_dma2 semaphore(%arg17 : memref<!tpu.dma_semaphore, #tpu.memory_space<semaphore_mem>>) src(%dma_wait3A_91 : memref<125x16xf32, #tpu.memory_space<hbm>>) dst(%arg9 : memref<125x16xf32, #tpu.memory_space<vmem>>)
      %dma_wait3A_92 = arith.constant 0 : i32
      %dma_wait3A_93 = tpu.memref_slice %arg4[%add3A_87, %dma_wait3A_92] : memref<320000x48xf32, #tpu.memory_space<hbm>> -> memref<125x48xf32, #tpu.memory_space<hbm>>
      %dma_wait3A_94 = arith.constant 0 : i32
      %dma_wait3A_95 = tpu.memref_slice %arg4[%add3A_87, %dma_wait3A_94] : memref<320000x48xf32, #tpu.memory_space<hbm>> -> memref<125x48xf32, #tpu.memory_space<hbm>>
      tpu.wait_dma2 semaphore(%arg17 : memref<!tpu.dma_semaphore, #tpu.memory_space<semaphore_mem>>) src(%dma_wait3A_95 : memref<125x48xf32, #tpu.memory_space<hbm>>) dst(%arg11 : memref<125x48xf32, #tpu.memory_space<vmem>>)
      %dma_wait3A_96 = arith.constant 0 : i32
      %dma_wait3A_97 = tpu.memref_slice %arg7[%mul3A_41, %dma_wait3A_96] : memref<80x125xi32, #tpu.memory_space<vmem>> -> memref<1x125xi32, #tpu.memory_space<vmem>>
      %dma_wait3A_98 = tpu.memref_squeeze %dma_wait3A_97 : memref<1x125xi32, #tpu.memory_space<vmem>> -> memref<125xi32, #tpu.memory_space<vmem>>
      %dma_wait3A_99 = arith.constant 0 : i32
      %dma_wait3A_100 = arith.constant 0 : i32
      %dma_wait3A_101 = tpu.memref_slice %arg14[%dma_wait3A_99, %dma_wait3A_100] : memref<10240x16xf32, #tpu.memory_space<vmem_shared>> -> memref<10240x16xf32, #tpu.memory_space<vmem_shared>>
      tpu.wait_indirect_dma semaphore(%arg18 : memref<!tpu.dma_semaphore, #tpu.memory_space<semaphore_mem>>) src(%arg8 : memref<125x16xf32, #tpu.memory_space<vmem>>) dst(%dma_wait3A_101 : memref<10240x16xf32, #tpu.memory_space<vmem_shared>>)
      %dma_wait3A_102 = arith.constant 0 : i32
      %dma_wait3A_103 = tpu.memref_slice %arg7[%mul3A_41, %dma_wait3A_102] : memref<80x125xi32, #tpu.memory_space<vmem>> -> memref<1x125xi32, #tpu.memory_space<vmem>>
      %dma_wait3A_104 = tpu.memref_squeeze %dma_wait3A_103 : memref<1x125xi32, #tpu.memory_space<vmem>> -> memref<125xi32, #tpu.memory_space<vmem>>
      %dma_wait3A_105 = arith.constant 0 : i32
      %dma_wait3A_106 = arith.constant 0 : i32
      %dma_wait3A_107 = tpu.memref_slice %arg15[%dma_wait3A_105, %dma_wait3A_106] : memref<10240x48xf32, #tpu.memory_space<vmem_shared>> -> memref<10240x48xf32, #tpu.memory_space<vmem_shared>>
      tpu.wait_indirect_dma semaphore(%arg18 : memref<!tpu.dma_semaphore, #tpu.memory_space<semaphore_mem>>) src(%arg10 : memref<125x48xf32, #tpu.memory_space<vmem>>) dst(%dma_wait3A_107 : memref<10240x48xf32, #tpu.memory_space<vmem_shared>>)
      %lt3A = arith.constant 39 : i32
      %lt3A_108 = arith.cmpi slt, %scan3A_39, %lt3A : i32
      %convert_element_type3A = arith.extui %lt3A_108 : i1 to i32
      %cond3A = arith.constant 0 : i32
      %cond3A_109 = arith.cmpi ne, %convert_element_type3A, %cond3A : i32
      scf.if %cond3A_109 {
        %add3A_134 = arith.constant 2 : i32
        %add3A_135 = arith.addi %mul3A_41, %add3A_134 : i32
        %mul3A_136 = arith.constant 10000 : i32
        %mul3A_137 = arith.muli %add3A, %mul3A_136 : i32
        %mul3A_138 = arith.constant 125 : i32
        %mul3A_139 = arith.muli %add3A_135, %mul3A_138 : i32
        %add3A_140 = arith.addi %mul3A_137, %mul3A_139 : i32
        %dma_start3A_141 = arith.constant 0 : i32
        %dma_start3A_142 = tpu.memref_slice %arg3[%add3A_140, %dma_start3A_141] : memref<320000x16xf32, #tpu.memory_space<hbm>> -> memref<125x16xf32, #tpu.memory_space<hbm>>
        %dma_start3A_143 = arith.constant 0 : i32
        %dma_start3A_144 = tpu.memref_slice %arg3[%add3A_140, %dma_start3A_143] : memref<320000x16xf32, #tpu.memory_space<hbm>> -> memref<125x16xf32, #tpu.memory_space<hbm>>
        tpu.enqueue_dma source(%dma_start3A_144 : memref<125x16xf32, #tpu.memory_space<hbm>>) target(%arg8 : memref<125x16xf32, #tpu.memory_space<vmem>>) target_semaphore(%arg16 : memref<!tpu.dma_semaphore, #tpu.memory_space<semaphore_mem>>)
        %dma_start3A_145 = arith.constant 0 : i32
        %dma_start3A_146 = tpu.memref_slice %arg4[%add3A_140, %dma_start3A_145] : memref<320000x48xf32, #tpu.memory_space<hbm>> -> memref<125x48xf32, #tpu.memory_space<hbm>>
        %dma_start3A_147 = arith.constant 0 : i32
        %dma_start3A_148 = tpu.memref_slice %arg4[%add3A_140, %dma_start3A_147] : memref<320000x48xf32, #tpu.memory_space<hbm>> -> memref<125x48xf32, #tpu.memory_space<hbm>>
        tpu.enqueue_dma source(%dma_start3A_148 : memref<125x48xf32, #tpu.memory_space<hbm>>) target(%arg10 : memref<125x48xf32, #tpu.memory_space<vmem>>) target_semaphore(%arg16 : memref<!tpu.dma_semaphore, #tpu.memory_space<semaphore_mem>>)
      } else {
      }
      %dma_start3A_110 = arith.constant 0 : i32
      %dma_start3A_111 = tpu.memref_slice %arg7[%add3A_45, %dma_start3A_110] : memref<80x125xi32, #tpu.memory_space<vmem>> -> memref<1x125xi32, #tpu.memory_space<vmem>>
      %dma_start3A_112 = tpu.memref_squeeze %dma_start3A_111 : memref<1x125xi32, #tpu.memory_space<vmem>> -> memref<125xi32, #tpu.memory_space<vmem>>
      %dma_start3A_113 = arith.constant 0 : i32
      %dma_start3A_114 = arith.constant 0 : i32
      %dma_start3A_115 = tpu.memref_slice %arg14[%dma_start3A_113, %dma_start3A_114] : memref<10240x16xf32, #tpu.memory_space<vmem_shared>> -> memref<10240x16xf32, #tpu.memory_space<vmem_shared>>
      tpu.enqueue_indirect_dma source(%arg9 : memref<125x16xf32, #tpu.memory_space<vmem>>) target(%dma_start3A_115 : memref<10240x16xf32, #tpu.memory_space<vmem_shared>>) offsets(%dma_start3A_112 : memref<125xi32, #tpu.memory_space<vmem>>) semaphore(%arg19 : memref<!tpu.dma_semaphore, #tpu.memory_space<semaphore_mem>>) {add = true}
      %dma_start3A_116 = arith.constant 0 : i32
      %dma_start3A_117 = tpu.memref_slice %arg7[%add3A_45, %dma_start3A_116] : memref<80x125xi32, #tpu.memory_space<vmem>> -> memref<1x125xi32, #tpu.memory_space<vmem>>
      %dma_start3A_118 = tpu.memref_squeeze %dma_start3A_117 : memref<1x125xi32, #tpu.memory_space<vmem>> -> memref<125xi32, #tpu.memory_space<vmem>>
      %dma_start3A_119 = arith.constant 0 : i32
      %dma_start3A_120 = arith.constant 0 : i32
      %dma_start3A_121 = tpu.memref_slice %arg15[%dma_start3A_119, %dma_start3A_120] : memref<10240x48xf32, #tpu.memory_space<vmem_shared>> -> memref<10240x48xf32, #tpu.memory_space<vmem_shared>>
      tpu.enqueue_indirect_dma source(%arg11 : memref<125x48xf32, #tpu.memory_space<vmem>>) target(%dma_start3A_121 : memref<10240x48xf32, #tpu.memory_space<vmem_shared>>) offsets(%dma_start3A_118 : memref<125xi32, #tpu.memory_space<vmem>>) semaphore(%arg19 : memref<!tpu.dma_semaphore, #tpu.memory_space<semaphore_mem>>) {add = true}
      %dma_wait3A_122 = arith.constant 0 : i32
      %dma_wait3A_123 = tpu.memref_slice %arg7[%add3A_45, %dma_wait3A_122] : memref<80x125xi32, #tpu.memory_space<vmem>> -> memref<1x125xi32, #tpu.memory_space<vmem>>
      %dma_wait3A_124 = tpu.memref_squeeze %dma_wait3A_123 : memref<1x125xi32, #tpu.memory_space<vmem>> -> memref<125xi32, #tpu.memory_space<vmem>>
      %dma_wait3A_125 = arith.constant 0 : i32
      %dma_wait3A_126 = arith.constant 0 : i32
      %dma_wait3A_127 = tpu.memref_slice %arg14[%dma_wait3A_125, %dma_wait3A_126] : memref<10240x16xf32, #tpu.memory_space<vmem_shared>> -> memref<10240x16xf32, #tpu.memory_space<vmem_shared>>
      tpu.wait_indirect_dma semaphore(%arg19 : memref<!tpu.dma_semaphore, #tpu.memory_space<semaphore_mem>>) src(%arg9 : memref<125x16xf32, #tpu.memory_space<vmem>>) dst(%dma_wait3A_127 : memref<10240x16xf32, #tpu.memory_space<vmem_shared>>)
      %dma_wait3A_128 = arith.constant 0 : i32
      %dma_wait3A_129 = tpu.memref_slice %arg7[%add3A_45, %dma_wait3A_128] : memref<80x125xi32, #tpu.memory_space<vmem>> -> memref<1x125xi32, #tpu.memory_space<vmem>>
      %dma_wait3A_130 = tpu.memref_squeeze %dma_wait3A_129 : memref<1x125xi32, #tpu.memory_space<vmem>> -> memref<125xi32, #tpu.memory_space<vmem>>
      %dma_wait3A_131 = arith.constant 0 : i32
      %dma_wait3A_132 = arith.constant 0 : i32
      %dma_wait3A_133 = tpu.memref_slice %arg15[%dma_wait3A_131, %dma_wait3A_132] : memref<10240x48xf32, #tpu.memory_space<vmem_shared>> -> memref<10240x48xf32, #tpu.memory_space<vmem_shared>>
      tpu.wait_indirect_dma semaphore(%arg19 : memref<!tpu.dma_semaphore, #tpu.memory_space<semaphore_mem>>) src(%arg11 : memref<125x48xf32, #tpu.memory_space<vmem>>) dst(%dma_wait3A_133 : memref<10240x48xf32, #tpu.memory_space<vmem_shared>>)
    }
    %scan3A_29 = arith.constant 40 : i32
    %barrier3A_30 = arith.constant 0 : index
    tpu.barrier barrier_id(%barrier3A_30)
    %mul3A_31 = arith.constant 640 : i32
    %mul3A_32 = arith.muli %arg1, %mul3A_31 : i32
    "tpu.region"() ({
      %run_scoped3A = tpu.sem_alloc : memref<!tpu.dma_semaphore, #tpu.memory_space<semaphore_mem>>
      %dma_start3A_39 = arith.constant 0 : i32
      %dma_start3A_40 = tpu.memref_slice %arg14[%mul3A_32, %dma_start3A_39] : memref<10240x16xf32, #tpu.memory_space<vmem_shared>> -> memref<640x16xf32, #tpu.memory_space<vmem_shared>>
      %dma_start3A_41 = arith.constant 0 : i32
      %dma_start3A_42 = tpu.memref_slice %arg14[%mul3A_32, %dma_start3A_41] : memref<10240x16xf32, #tpu.memory_space<vmem_shared>> -> memref<640x16xf32, #tpu.memory_space<vmem_shared>>
      tpu.enqueue_dma source(%dma_start3A_42 : memref<640x16xf32, #tpu.memory_space<vmem_shared>>) target(%arg12 : memref<640x16xf32, #tpu.memory_space<vmem>>) target_semaphore(%run_scoped3A : memref<!tpu.dma_semaphore, #tpu.memory_space<semaphore_mem>>)
      %dma_wait3A = arith.constant 0 : i32
      %dma_wait3A_43 = tpu.memref_slice %arg14[%mul3A_32, %dma_wait3A] : memref<10240x16xf32, #tpu.memory_space<vmem_shared>> -> memref<640x16xf32, #tpu.memory_space<vmem_shared>>
      %dma_wait3A_44 = arith.constant 0 : i32
      %dma_wait3A_45 = tpu.memref_slice %arg14[%mul3A_32, %dma_wait3A_44] : memref<10240x16xf32, #tpu.memory_space<vmem_shared>> -> memref<640x16xf32, #tpu.memory_space<vmem_shared>>
      tpu.wait_dma2 semaphore(%run_scoped3A : memref<!tpu.dma_semaphore, #tpu.memory_space<semaphore_mem>>) src(%dma_wait3A_45 : memref<640x16xf32, #tpu.memory_space<vmem_shared>>) dst(%arg12 : memref<640x16xf32, #tpu.memory_space<vmem>>)
      tpu.yield
    }) : () -> ()
    %mul3A_33 = arith.constant 640 : i32
    %mul3A_34 = arith.muli %arg1, %mul3A_33 : i32
    "tpu.region"() ({
      %run_scoped3A = tpu.sem_alloc : memref<!tpu.dma_semaphore, #tpu.memory_space<semaphore_mem>>
      %dma_start3A_39 = arith.constant 0 : i32
      %dma_start3A_40 = tpu.memref_slice %arg5[%arg0, %mul3A_34, %dma_start3A_39] : memref<2x10240x16xf32, #tpu.memory_space<hbm>> -> memref<1x640x16xf32, #tpu.memory_space<hbm>>
      %dma_start3A_41 = tpu.memref_squeeze %dma_start3A_40 : memref<1x640x16xf32, #tpu.memory_space<hbm>> -> memref<640x16xf32, #tpu.memory_space<hbm>>
      %dma_start3A_42 = arith.constant 0 : i32
      %dma_start3A_43 = tpu.memref_slice %arg5[%arg0, %mul3A_34, %dma_start3A_42] : memref<2x10240x16xf32, #tpu.memory_space<hbm>> -> memref<1x640x16xf32, #tpu.memory_space<hbm>>
      %dma_start3A_44 = tpu.memref_squeeze %dma_start3A_43 : memref<1x640x16xf32, #tpu.memory_space<hbm>> -> memref<640x16xf32, #tpu.memory_space<hbm>>
      tpu.enqueue_dma source(%arg12 : memref<640x16xf32, #tpu.memory_space<vmem>>) target(%dma_start3A_44 : memref<640x16xf32, #tpu.memory_space<hbm>>) target_semaphore(%run_scoped3A : memref<!tpu.dma_semaphore, #tpu.memory_space<semaphore_mem>>)
      %dma_wait3A = arith.constant 0 : i32
      %dma_wait3A_45 = tpu.memref_slice %arg5[%arg0, %mul3A_34, %dma_wait3A] : memref<2x10240x16xf32, #tpu.memory_space<hbm>> -> memref<1x640x16xf32, #tpu.memory_space<hbm>>
      %dma_wait3A_46 = tpu.memref_squeeze %dma_wait3A_45 : memref<1x640x16xf32, #tpu.memory_space<hbm>> -> memref<640x16xf32, #tpu.memory_space<hbm>>
      %dma_wait3A_47 = arith.constant 0 : i32
      %dma_wait3A_48 = tpu.memref_slice %arg5[%arg0, %mul3A_34, %dma_wait3A_47] : memref<2x10240x16xf32, #tpu.memory_space<hbm>> -> memref<1x640x16xf32, #tpu.memory_space<hbm>>
      %dma_wait3A_49 = tpu.memref_squeeze %dma_wait3A_48 : memref<1x640x16xf32, #tpu.memory_space<hbm>> -> memref<640x16xf32, #tpu.memory_space<hbm>>
      tpu.wait_dma2 semaphore(%run_scoped3A : memref<!tpu.dma_semaphore, #tpu.memory_space<semaphore_mem>>) src(%arg12 : memref<640x16xf32, #tpu.memory_space<vmem>>) dst(%dma_wait3A_49 : memref<640x16xf32, #tpu.memory_space<hbm>>)
      tpu.yield
    }) : () -> ()
    %mul3A_35 = arith.constant 640 : i32
    %mul3A_36 = arith.muli %arg1, %mul3A_35 : i32
    "tpu.region"() ({
      %run_scoped3A = tpu.sem_alloc : memref<!tpu.dma_semaphore, #tpu.memory_space<semaphore_mem>>
      %dma_start3A_39 = arith.constant 0 : i32
      %dma_start3A_40 = tpu.memref_slice %arg15[%mul3A_36, %dma_start3A_39] : memref<10240x48xf32, #tpu.memory_space<vmem_shared>> -> memref<640x48xf32, #tpu.memory_space<vmem_shared>>
      %dma_start3A_41 = arith.constant 0 : i32
      %dma_start3A_42 = tpu.memref_slice %arg15[%mul3A_36, %dma_start3A_41] : memref<10240x48xf32, #tpu.memory_space<vmem_shared>> -> memref<640x48xf32, #tpu.memory_space<vmem_shared>>
      tpu.enqueue_dma source(%dma_start3A_42 : memref<640x48xf32, #tpu.memory_space<vmem_shared>>) target(%arg13 : memref<640x48xf32, #tpu.memory_space<vmem>>) target_semaphore(%run_scoped3A : memref<!tpu.dma_semaphore, #tpu.memory_space<semaphore_mem>>)
      %dma_wait3A = arith.constant 0 : i32
      %dma_wait3A_43 = tpu.memref_slice %arg15[%mul3A_36, %dma_wait3A] : memref<10240x48xf32, #tpu.memory_space<vmem_shared>> -> memref<640x48xf32, #tpu.memory_space<vmem_shared>>
      %dma_wait3A_44 = arith.constant 0 : i32
      %dma_wait3A_45 = tpu.memref_slice %arg15[%mul3A_36, %dma_wait3A_44] : memref<10240x48xf32, #tpu.memory_space<vmem_shared>> -> memref<640x48xf32, #tpu.memory_space<vmem_shared>>
      tpu.wait_dma2 semaphore(%run_scoped3A : memref<!tpu.dma_semaphore, #tpu.memory_space<semaphore_mem>>) src(%dma_wait3A_45 : memref<640x48xf32, #tpu.memory_space<vmem_shared>>) dst(%arg13 : memref<640x48xf32, #tpu.memory_space<vmem>>)
      tpu.yield
    }) : () -> ()
    %mul3A_37 = arith.constant 640 : i32
    %mul3A_38 = arith.muli %arg1, %mul3A_37 : i32
    "tpu.region"() ({
      %run_scoped3A = tpu.sem_alloc : memref<!tpu.dma_semaphore, #tpu.memory_space<semaphore_mem>>
      %dma_start3A_39 = arith.constant 0 : i32
      %dma_start3A_40 = tpu.memref_slice %arg6[%arg0, %mul3A_38, %dma_start3A_39] : memref<2x10240x48xf32, #tpu.memory_space<hbm>> -> memref<1x640x48xf32, #tpu.memory_space<hbm>>
      %dma_start3A_41 = tpu.memref_squeeze %dma_start3A_40 : memref<1x640x48xf32, #tpu.memory_space<hbm>> -> memref<640x48xf32, #tpu.memory_space<hbm>>
      %dma_start3A_42 = arith.constant 0 : i32
      %dma_start3A_43 = tpu.memref_slice %arg6[%arg0, %mul3A_38, %dma_start3A_42] : memref<2x10240x48xf32, #tpu.memory_space<hbm>> -> memref<1x640x48xf32, #tpu.memory_space<hbm>>
      %dma_start3A_44 = tpu.memref_squeeze %dma_start3A_43 : memref<1x640x48xf32, #tpu.memory_space<hbm>> -> memref<640x48xf32, #tpu.memory_space<hbm>>
      tpu.enqueue_dma source(%arg13 : memref<640x48xf32, #tpu.memory_space<vmem>>) target(%dma_start3A_44 : memref<640x48xf32, #tpu.memory_space<hbm>>) target_semaphore(%run_scoped3A : memref<!tpu.dma_semaphore, #tpu.memory_space<semaphore_mem>>)
      %dma_wait3A = arith.constant 0 : i32
      %dma_wait3A_45 = tpu.memref_slice %arg6[%arg0, %mul3A_38, %dma_wait3A] : memref<2x10240x48xf32, #tpu.memory_space<hbm>> -> memref<1x640x48xf32, #tpu.memory_space<hbm>>
      %dma_wait3A_46 = tpu.memref_squeeze %dma_wait3A_45 : memref<1x640x48xf32, #tpu.memory_space<hbm>> -> memref<640x48xf32, #tpu.memory_space<hbm>>
      %dma_wait3A_47 = arith.constant 0 : i32
      %dma_wait3A_48 = tpu.memref_slice %arg6[%arg0, %mul3A_38, %dma_wait3A_47] : memref<2x10240x48xf32, #tpu.memory_space<hbm>> -> memref<1x640x48xf32, #tpu.memory_space<hbm>>
      %dma_wait3A_49 = tpu.memref_squeeze %dma_wait3A_48 : memref<1x640x48xf32, #tpu.memory_space<hbm>> -> memref<640x48xf32, #tpu.memory_space<hbm>>
      tpu.wait_dma2 semaphore(%run_scoped3A : memref<!tpu.dma_semaphore, #tpu.memory_space<semaphore_mem>>) src(%arg13 : memref<640x48xf32, #tpu.memory_space<vmem>>) dst(%dma_wait3A_49 : memref<640x48xf32, #tpu.memory_space<hbm>>)
      tpu.yield
    }) : () -> ()
    return
  }
}

module attributes {stable_mosaic.version = 14 : i64} {
  func.func @_tc_body(%arg0: i32, %arg1: memref<1000x128xf32, #tpu.memory_space<vmem>>, %arg2: memref<1000x1xf32, #tpu.memory_space<vmem>>, %arg3: memref<2x1000x16xf32, #tpu.memory_space<vmem>>, %arg4: memref<2x1000x48xf32, #tpu.memory_space<vmem>>, %arg5: memref<16x128xf32, #tpu.memory_space<vmem>>, %arg6: memref<128x128xf32, #tpu.memory_space<vmem>>, %arg7: memref<16x128xf32, #tpu.memory_space<vmem>>, %arg8: memref<128x8xf32, #tpu.memory_space<vmem>>, %arg9: memref<128x256xf32, #tpu.memory_space<vmem>>, %arg10: memref<8x256xf32, #tpu.memory_space<vmem>>, %arg11: memref<128x256xf32, #tpu.memory_space<vmem>>, %arg12: memref<1x256xf32, #tpu.memory_space<vmem>>, %arg13: memref<256x256xf32, #tpu.memory_space<vmem>>, %arg14: memref<1x256xf32, #tpu.memory_space<vmem>>, %arg15: memref<256x128xf32, #tpu.memory_space<vmem>>, %arg16: memref<256x8xf32, #tpu.memory_space<vmem>>, %arg17: memref<1x128xf32, #tpu.memory_space<vmem>>, %arg18: memref<1x8xf32, #tpu.memory_space<vmem>>, %arg19: memref<1000x128xf32, #tpu.memory_space<vmem>>, %arg20: memref<1000x8xf32, #tpu.memory_space<vmem>>) attributes {dimension_semantics = [#tpu.dimension_semantics<parallel>], iteration_bounds = array<i64: 10>, scalar_prefetch = 0 : i64, scratch_operands = 0 : i64, tpu.core_type = #tpu.core_type<tc>, window_params = [{transform_indices = @transform_0, window_bounds = array<i64: 1000, 128>}, {transform_indices = @transform_1, window_bounds = array<i64: 1000, 1>}, {transform_indices = @transform_2, window_bounds = array<i64: 2, 1000, 16>}, {transform_indices = @transform_3, window_bounds = array<i64: 2, 1000, 48>}, {pipeline_mode = #tpu.pipeline_mode<synchronous>, transform_indices = @transform_4, window_bounds = array<i64: 16, 128>}, {pipeline_mode = #tpu.pipeline_mode<synchronous>, transform_indices = @transform_5, window_bounds = array<i64: 128, 128>}, {pipeline_mode = #tpu.pipeline_mode<synchronous>, transform_indices = @transform_6, window_bounds = array<i64: 16, 128>}, {pipeline_mode = #tpu.pipeline_mode<synchronous>, transform_indices = @transform_7, window_bounds = array<i64: 128, 8>}, {pipeline_mode = #tpu.pipeline_mode<synchronous>, transform_indices = @transform_8, window_bounds = array<i64: 128, 256>}, {pipeline_mode = #tpu.pipeline_mode<synchronous>, transform_indices = @transform_9, window_bounds = array<i64: 8, 256>}, {pipeline_mode = #tpu.pipeline_mode<synchronous>, transform_indices = @transform_10, window_bounds = array<i64: 128, 256>}, {pipeline_mode = #tpu.pipeline_mode<synchronous>, transform_indices = @transform_11, window_bounds = array<i64: 1, 256>}, {pipeline_mode = #tpu.pipeline_mode<synchronous>, transform_indices = @transform_12, window_bounds = array<i64: 256, 256>}, {pipeline_mode = #tpu.pipeline_mode<synchronous>, transform_indices = @transform_13, window_bounds = array<i64: 1, 256>}, {pipeline_mode = #tpu.pipeline_mode<synchronous>, transform_indices = @transform_14, window_bounds = array<i64: 256, 128>}, {pipeline_mode = #tpu.pipeline_mode<synchronous>, transform_indices = @transform_15, window_bounds = array<i64: 256, 8>}, {pipeline_mode = #tpu.pipeline_mode<synchronous>, transform_indices = @transform_16, window_bounds = array<i64: 1, 128>}, {pipeline_mode = #tpu.pipeline_mode<synchronous>, transform_indices = @transform_17, window_bounds = array<i64: 1, 8>}, {transform_indices = @transform_18, window_bounds = array<i64: 1000, 128>}, {transform_indices = @transform_19, window_bounds = array<i64: 1000, 8>}]} {
    %get3A = arith.constant 0 : index
    %get3A_0 = arith.constant 0 : index
    %get3A_1 = vector.load %arg1[%get3A, %get3A_0] : memref<1000x128xf32, #tpu.memory_space<vmem>>, vector<1000x128xf32>
    %get3A_2 = arith.constant 0 : index
    %get3A_3 = arith.constant 0 : index
    %get3A_4 = arith.constant 0 : index
    %get3A_5 = vector.load %arg3[%get3A_2, %get3A_3, %get3A_4] : memref<2x1000x16xf32, #tpu.memory_space<vmem>>, vector<1x1000x16xf32>
    %get3A_6 = vector.shape_cast %get3A_5 : vector<1x1000x16xf32> to vector<1000x16xf32>
    %get3A_7 = arith.constant 1 : index
    %get3A_8 = arith.constant 0 : index
    %get3A_9 = arith.constant 0 : index
    %get3A_10 = vector.load %arg3[%get3A_7, %get3A_8, %get3A_9] : memref<2x1000x16xf32, #tpu.memory_space<vmem>>, vector<1x1000x16xf32>
    %get3A_11 = vector.shape_cast %get3A_10 : vector<1x1000x16xf32> to vector<1000x16xf32>
    %add3A = arith.addf %get3A_6, %get3A_11 : vector<1000x16xf32>
    %get3A_12 = arith.constant 0 : index
    %get3A_13 = arith.constant 0 : index
    %get3A_14 = vector.load %arg5[%get3A_12, %get3A_13] : memref<16x128xf32, #tpu.memory_space<vmem>>, vector<16x128xf32>
    %dot_general3A = arith.constant dense<0.000000e+00> : vector<1000x128xf32>
    %dot_general3A_15 = tpu.matmul %add3A, %get3A_14, %dot_general3A {dimension_numbers = #tpu.dot_dimension_numbers<[1], [0], [0], [1], [0, 0, 1, 1], [], []>, transpose_lhs_hint = false} : vector<1000x16xf32>, vector<16x128xf32>, vector<1000x128xf32> -> vector<1000x128xf32>
    %get3A_16 = arith.constant 0 : index
    %get3A_17 = arith.constant 0 : index
    %get3A_18 = vector.load %arg6[%get3A_16, %get3A_17] : memref<128x128xf32, #tpu.memory_space<vmem>>, vector<128x128xf32>
    %dot_general3A_19 = arith.constant dense<0.000000e+00> : vector<1000x128xf32>
    %dot_general3A_20 = tpu.matmul %get3A_1, %get3A_18, %dot_general3A_19 {dimension_numbers = #tpu.dot_dimension_numbers<[1], [0], [0], [1], [0, 0, 1, 1], [], []>, transpose_lhs_hint = false} : vector<1000x128xf32>, vector<128x128xf32>, vector<1000x128xf32> -> vector<1000x128xf32>
    %get3A_21 = arith.constant 0 : index
    %get3A_22 = arith.constant 0 : index
    %get3A_23 = arith.constant 0 : index
    %get3A_24 = vector.load %arg4[%get3A_21, %get3A_22, %get3A_23] : memref<2x1000x48xf32, #tpu.memory_space<vmem>>, vector<1x1000x48xf32>
    %get3A_25 = vector.shape_cast %get3A_24 : vector<1x1000x48xf32> to vector<1000x48xf32>
    %get3A_26 = arith.constant 1 : index
    %get3A_27 = arith.constant 0 : index
    %get3A_28 = arith.constant 0 : index
    %get3A_29 = vector.load %arg4[%get3A_26, %get3A_27, %get3A_28] : memref<2x1000x48xf32, #tpu.memory_space<vmem>>, vector<1x1000x48xf32>
    %get3A_30 = vector.shape_cast %get3A_29 : vector<1x1000x48xf32> to vector<1000x48xf32>
    %add3A_31 = arith.addf %get3A_25, %get3A_30 : vector<1000x48xf32>
    %slice3A = vector.extract_strided_slice %add3A_31 {offsets = [0, 0], sizes = [1000, 16], strides = [1, 1]} : vector<1000x48xf32> to vector<1000x16xf32>
    %get3A_32 = arith.constant 0 : index
    %get3A_33 = arith.constant 0 : index
    %get3A_34 = vector.load %arg7[%get3A_32, %get3A_33] : memref<16x128xf32, #tpu.memory_space<vmem>>, vector<16x128xf32>
    %dot_general3A_35 = arith.constant dense<0.000000e+00> : vector<1000x128xf32>
    %dot_general3A_36 = tpu.matmul %slice3A, %get3A_34, %dot_general3A_35 {dimension_numbers = #tpu.dot_dimension_numbers<[1], [0], [0], [1], [0, 0, 1, 1], [], []>, transpose_lhs_hint = false} : vector<1000x16xf32>, vector<16x128xf32>, vector<1000x128xf32> -> vector<1000x128xf32>
    %mul3A = arith.mulf %dot_general3A_36, %dot_general3A_20 : vector<1000x128xf32>
    %get3A_37 = arith.constant 0 : index
    %get3A_38 = arith.constant 0 : index
    %get3A_39 = vector.load %arg8[%get3A_37, %get3A_38] : memref<128x8xf32, #tpu.memory_space<vmem>>, vector<128x8xf32>
    %dot_general3A_40 = arith.constant dense<0.000000e+00> : vector<1000x8xf32>
    %dot_general3A_41 = tpu.matmul %mul3A, %get3A_39, %dot_general3A_40 {dimension_numbers = #tpu.dot_dimension_numbers<[1], [0], [0], [1], [0, 0, 1, 1], [], []>, transpose_lhs_hint = false} : vector<1000x128xf32>, vector<128x8xf32>, vector<1000x8xf32> -> vector<1000x8xf32>
    %mul3A_42 = arith.mulf %dot_general3A_41, %dot_general3A_41 : vector<1000x8xf32>
    %slice3A_43 = vector.extract_strided_slice %add3A_31 {offsets = [0, 16], sizes = [1000, 16], strides = [1, 1]} : vector<1000x48xf32> to vector<1000x16xf32>
    %get3A_44 = arith.constant 0 : index
    %get3A_45 = arith.constant 0 : index
    %get3A_46 = vector.load %arg7[%get3A_44, %get3A_45] : memref<16x128xf32, #tpu.memory_space<vmem>>, vector<16x128xf32>
    %dot_general3A_47 = arith.constant dense<0.000000e+00> : vector<1000x128xf32>
    %dot_general3A_48 = tpu.matmul %slice3A_43, %get3A_46, %dot_general3A_47 {dimension_numbers = #tpu.dot_dimension_numbers<[1], [0], [0], [1], [0, 0, 1, 1], [], []>, transpose_lhs_hint = false} : vector<1000x16xf32>, vector<16x128xf32>, vector<1000x128xf32> -> vector<1000x128xf32>
    %mul3A_49 = arith.mulf %dot_general3A_48, %dot_general3A_20 : vector<1000x128xf32>
    %get3A_50 = arith.constant 0 : index
    %get3A_51 = arith.constant 0 : index
    %get3A_52 = vector.load %arg8[%get3A_50, %get3A_51] : memref<128x8xf32, #tpu.memory_space<vmem>>, vector<128x8xf32>
    %dot_general3A_53 = arith.constant dense<0.000000e+00> : vector<1000x8xf32>
    %dot_general3A_54 = tpu.matmul %mul3A_49, %get3A_52, %dot_general3A_53 {dimension_numbers = #tpu.dot_dimension_numbers<[1], [0], [0], [1], [0, 0, 1, 1], [], []>, transpose_lhs_hint = false} : vector<1000x128xf32>, vector<128x8xf32>, vector<1000x8xf32> -> vector<1000x8xf32>
    %mul3A_55 = arith.mulf %dot_general3A_54, %dot_general3A_54 : vector<1000x8xf32>
    %add3A_56 = arith.addf %mul3A_42, %mul3A_55 : vector<1000x8xf32>
    %slice3A_57 = vector.extract_strided_slice %add3A_31 {offsets = [0, 32], sizes = [1000, 16], strides = [1, 1]} : vector<1000x48xf32> to vector<1000x16xf32>
    %get3A_58 = arith.constant 0 : index
    %get3A_59 = arith.constant 0 : index
    %get3A_60 = vector.load %arg7[%get3A_58, %get3A_59] : memref<16x128xf32, #tpu.memory_space<vmem>>, vector<16x128xf32>
    %dot_general3A_61 = arith.constant dense<0.000000e+00> : vector<1000x128xf32>
    %dot_general3A_62 = tpu.matmul %slice3A_57, %get3A_60, %dot_general3A_61 {dimension_numbers = #tpu.dot_dimension_numbers<[1], [0], [0], [1], [0, 0, 1, 1], [], []>, transpose_lhs_hint = false} : vector<1000x16xf32>, vector<16x128xf32>, vector<1000x128xf32> -> vector<1000x128xf32>
    %mul3A_63 = arith.mulf %dot_general3A_62, %dot_general3A_20 : vector<1000x128xf32>
    %get3A_64 = arith.constant 0 : index
    %get3A_65 = arith.constant 0 : index
    %get3A_66 = vector.load %arg8[%get3A_64, %get3A_65] : memref<128x8xf32, #tpu.memory_space<vmem>>, vector<128x8xf32>
    %dot_general3A_67 = arith.constant dense<0.000000e+00> : vector<1000x8xf32>
    %dot_general3A_68 = tpu.matmul %mul3A_63, %get3A_66, %dot_general3A_67 {dimension_numbers = #tpu.dot_dimension_numbers<[1], [0], [0], [1], [0, 0, 1, 1], [], []>, transpose_lhs_hint = false} : vector<1000x128xf32>, vector<128x8xf32>, vector<1000x8xf32> -> vector<1000x8xf32>
    %mul3A_69 = arith.mulf %dot_general3A_68, %dot_general3A_68 : vector<1000x8xf32>
    %add3A_70 = arith.addf %add3A_56, %mul3A_69 : vector<1000x8xf32>
    %sqrt3A = math.sqrt %add3A_70 : vector<1000x8xf32>
    %mul3A_71 = arith.mulf %get3A_1, %dot_general3A_15 : vector<1000x128xf32>
    %get3A_72 = arith.constant 0 : index
    %get3A_73 = arith.constant 0 : index
    %get3A_74 = vector.load %arg2[%get3A_72, %get3A_73] : memref<1000x1xf32, #tpu.memory_space<vmem>>, vector<1000x1xf32>
    %mul3A_75 = vector.broadcast %get3A_74 : vector<1000x1xf32> to vector<1000x128xf32>
    %mul3A_76 = arith.mulf %mul3A_75, %dot_general3A_15 : vector<1000x128xf32>
    %get3A_77 = arith.constant 0 : index
    %get3A_78 = arith.constant 0 : index
    %get3A_79 = vector.load %arg9[%get3A_77, %get3A_78] : memref<128x256xf32, #tpu.memory_space<vmem>>, vector<128x256xf32>
    %dot_general3A_80 = arith.constant dense<0.000000e+00> : vector<1000x256xf32>
    %dot_general3A_81 = tpu.matmul %mul3A_71, %get3A_79, %dot_general3A_80 {dimension_numbers = #tpu.dot_dimension_numbers<[1], [0], [0], [1], [0, 0, 1, 1], [], []>, transpose_lhs_hint = false} : vector<1000x128xf32>, vector<128x256xf32>, vector<1000x256xf32> -> vector<1000x256xf32>
    %get3A_82 = arith.constant 0 : index
    %get3A_83 = arith.constant 0 : index
    %get3A_84 = vector.load %arg10[%get3A_82, %get3A_83] : memref<8x256xf32, #tpu.memory_space<vmem>>, vector<8x256xf32>
    %dot_general3A_85 = arith.constant dense<0.000000e+00> : vector<1000x256xf32>
    %dot_general3A_86 = tpu.matmul %sqrt3A, %get3A_84, %dot_general3A_85 {dimension_numbers = #tpu.dot_dimension_numbers<[1], [0], [0], [1], [0, 0, 1, 1], [], []>, transpose_lhs_hint = false} : vector<1000x8xf32>, vector<8x256xf32>, vector<1000x256xf32> -> vector<1000x256xf32>
    %add3A_87 = arith.addf %dot_general3A_81, %dot_general3A_86 : vector<1000x256xf32>
    %get3A_88 = arith.constant 0 : index
    %get3A_89 = arith.constant 0 : index
    %get3A_90 = vector.load %arg11[%get3A_88, %get3A_89] : memref<128x256xf32, #tpu.memory_space<vmem>>, vector<128x256xf32>
    %dot_general3A_91 = arith.constant dense<0.000000e+00> : vector<1000x256xf32>
    %dot_general3A_92 = tpu.matmul %mul3A_76, %get3A_90, %dot_general3A_91 {dimension_numbers = #tpu.dot_dimension_numbers<[1], [0], [0], [1], [0, 0, 1, 1], [], []>, transpose_lhs_hint = false} : vector<1000x128xf32>, vector<128x256xf32>, vector<1000x256xf32> -> vector<1000x256xf32>
    %add3A_93 = arith.addf %add3A_87, %dot_general3A_92 : vector<1000x256xf32>
    %get3A_94 = arith.constant 0 : index
    %get3A_95 = arith.constant 0 : index
    %get3A_96 = vector.load %arg12[%get3A_94, %get3A_95] : memref<1x256xf32, #tpu.memory_space<vmem>>, vector<1x256xf32>
    %add3A_97 = vector.broadcast %get3A_96 : vector<1x256xf32> to vector<1000x256xf32>
    %add3A_98 = arith.addf %add3A_93, %add3A_97 : vector<1000x256xf32>
    %mul3A_99 = arith.constant 5.000000e-01 : f32
    %mul3A_100 = vector.broadcast %mul3A_99 : f32 to vector<1000x256xf32>
    %mul3A_101 = arith.mulf %mul3A_100, %add3A_98 : vector<1000x256xf32>
    %mul3A_102 = arith.constant 0.707106769 : f32
    %mul3A_103 = vector.broadcast %mul3A_102 : f32 to vector<1000x256xf32>
    %mul3A_104 = arith.mulf %add3A_98, %mul3A_103 : vector<1000x256xf32>
    %erf3A = math.erf %mul3A_104 : vector<1000x256xf32>
    %add3A_105 = arith.constant 1.000000e+00 : f32
    %add3A_106 = vector.broadcast %add3A_105 : f32 to vector<1000x256xf32>
    %add3A_107 = arith.addf %add3A_106, %erf3A : vector<1000x256xf32>
    %mul3A_108 = arith.mulf %mul3A_101, %add3A_107 : vector<1000x256xf32>
    %get3A_109 = arith.constant 0 : index
    %get3A_110 = arith.constant 0 : index
    %get3A_111 = vector.load %arg13[%get3A_109, %get3A_110] : memref<256x256xf32, #tpu.memory_space<vmem>>, vector<256x256xf32>
    %dot_general3A_112 = arith.constant dense<0.000000e+00> : vector<1000x256xf32>
    %dot_general3A_113 = tpu.matmul %mul3A_108, %get3A_111, %dot_general3A_112 {dimension_numbers = #tpu.dot_dimension_numbers<[1], [0], [0], [1], [0, 0, 1, 1], [], []>, transpose_lhs_hint = false} : vector<1000x256xf32>, vector<256x256xf32>, vector<1000x256xf32> -> vector<1000x256xf32>
    %get3A_114 = arith.constant 0 : index
    %get3A_115 = arith.constant 0 : index
    %get3A_116 = vector.load %arg14[%get3A_114, %get3A_115] : memref<1x256xf32, #tpu.memory_space<vmem>>, vector<1x256xf32>
    %add3A_117 = vector.broadcast %get3A_116 : vector<1x256xf32> to vector<1000x256xf32>
    %add3A_118 = arith.addf %dot_general3A_113, %add3A_117 : vector<1000x256xf32>
    %mul3A_119 = arith.constant 5.000000e-01 : f32
    %mul3A_120 = vector.broadcast %mul3A_119 : f32 to vector<1000x256xf32>
    %mul3A_121 = arith.mulf %mul3A_120, %add3A_118 : vector<1000x256xf32>
    %mul3A_122 = arith.constant 0.707106769 : f32
    %mul3A_123 = vector.broadcast %mul3A_122 : f32 to vector<1000x256xf32>
    %mul3A_124 = arith.mulf %add3A_118, %mul3A_123 : vector<1000x256xf32>
    %erf3A_125 = math.erf %mul3A_124 : vector<1000x256xf32>
    %add3A_126 = arith.constant 1.000000e+00 : f32
    %add3A_127 = vector.broadcast %add3A_126 : f32 to vector<1000x256xf32>
    %add3A_128 = arith.addf %add3A_127, %erf3A_125 : vector<1000x256xf32>
    %mul3A_129 = arith.mulf %mul3A_121, %add3A_128 : vector<1000x256xf32>
    %get3A_130 = arith.constant 0 : index
    %get3A_131 = arith.constant 0 : index
    %get3A_132 = vector.load %arg15[%get3A_130, %get3A_131] : memref<256x128xf32, #tpu.memory_space<vmem>>, vector<256x128xf32>
    %dot_general3A_133 = arith.constant dense<0.000000e+00> : vector<1000x128xf32>
    %dot_general3A_134 = tpu.matmul %mul3A_129, %get3A_132, %dot_general3A_133 {dimension_numbers = #tpu.dot_dimension_numbers<[1], [0], [0], [1], [0, 0, 1, 1], [], []>, transpose_lhs_hint = false} : vector<1000x256xf32>, vector<256x128xf32>, vector<1000x128xf32> -> vector<1000x128xf32>
    %get3A_135 = arith.constant 0 : index
    %get3A_136 = arith.constant 0 : index
    %get3A_137 = vector.load %arg17[%get3A_135, %get3A_136] : memref<1x128xf32, #tpu.memory_space<vmem>>, vector<1x128xf32>
    %add3A_138 = vector.broadcast %get3A_137 : vector<1x128xf32> to vector<1000x128xf32>
    %add3A_139 = arith.addf %dot_general3A_134, %add3A_138 : vector<1000x128xf32>
    %swap3A = arith.constant 0 : index
    %swap3A_140 = arith.constant 0 : index
    %swap3A_141 = vector.load %arg19[%swap3A, %swap3A_140] : memref<1000x128xf32, #tpu.memory_space<vmem>>, vector<1000x128xf32>
    tpu.vector_store %arg19[%swap3A, %swap3A_140], %add3A_139 {strides = array<i32>} : memref<1000x128xf32, #tpu.memory_space<vmem>>, vector<1000x128xf32>,
    %get3A_142 = arith.constant 0 : index
    %get3A_143 = arith.constant 0 : index
    %get3A_144 = vector.load %arg16[%get3A_142, %get3A_143] : memref<256x8xf32, #tpu.memory_space<vmem>>, vector<256x8xf32>
    %dot_general3A_145 = arith.constant dense<0.000000e+00> : vector<1000x8xf32>
    %dot_general3A_146 = tpu.matmul %mul3A_129, %get3A_144, %dot_general3A_145 {dimension_numbers = #tpu.dot_dimension_numbers<[1], [0], [0], [1], [0, 0, 1, 1], [], []>, transpose_lhs_hint = false} : vector<1000x256xf32>, vector<256x8xf32>, vector<1000x8xf32> -> vector<1000x8xf32>
    %get3A_147 = arith.constant 0 : index
    %get3A_148 = arith.constant 0 : index
    %get3A_149 = vector.load %arg18[%get3A_147, %get3A_148] : memref<1x8xf32, #tpu.memory_space<vmem>>, vector<1x8xf32>
    %add3A_150 = vector.broadcast %get3A_149 : vector<1x8xf32> to vector<1000x8xf32>
    %add3A_151 = arith.addf %dot_general3A_146, %add3A_150 : vector<1000x8xf32>
    %swap3A_152 = arith.constant 0 : index
    %swap3A_153 = arith.constant 0 : index
    %swap3A_154 = vector.load %arg20[%swap3A_152, %swap3A_153] : memref<1000x8xf32, #tpu.memory_space<vmem>>, vector<1000x8xf32>
    tpu.vector_store %arg20[%swap3A_152, %swap3A_153], %add3A_151 {strides = array<i32>} : memref<1000x8xf32, #tpu.memory_space<vmem>>, vector<1000x8xf32>,
    return
  }
  func.func @transform_0(%arg0: i32) -> (i32, i32) {
    %c0_i32 = arith.constant 0 : i32
    %c0_i32_0 = arith.constant 0 : i32
    return %arg0, %c0_i32 : i32, i32
  }
  func.func @transform_1(%arg0: i32) -> (i32, i32) {
    %c0_i32 = arith.constant 0 : i32
    %c0_i32_0 = arith.constant 0 : i32
    return %arg0, %c0_i32 : i32, i32
  }
  func.func @transform_2(%arg0: i32) -> (i32, i32, i32) {
    %c0_i32 = arith.constant 0 : i32
    %c0_i32_0 = arith.constant 0 : i32
    %c0_i32_1 = arith.constant 0 : i32
    return %c0_i32, %arg0, %c0_i32_0 : i32, i32, i32
  }
  func.func @transform_3(%arg0: i32) -> (i32, i32, i32) {
    %c0_i32 = arith.constant 0 : i32
    %c0_i32_0 = arith.constant 0 : i32
    %c0_i32_1 = arith.constant 0 : i32
    return %c0_i32, %arg0, %c0_i32_0 : i32, i32, i32
  }
  func.func @transform_4(%arg0: i32) -> (i32, i32) {
    %c0_i32 = arith.constant 0 : i32
    %c0_i32_0 = arith.constant 0 : i32
    %c0_i32_1 = arith.constant 0 : i32
    return %c0_i32, %c0_i32_0 : i32, i32
  }
  func.func @transform_5(%arg0: i32) -> (i32, i32) {
    %c0_i32 = arith.constant 0 : i32
    %c0_i32_0 = arith.constant 0 : i32
    %c0_i32_1 = arith.constant 0 : i32
    return %c0_i32, %c0_i32_0 : i32, i32
  }
  func.func @transform_6(%arg0: i32) -> (i32, i32) {
    %c0_i32 = arith.constant 0 : i32
    %c0_i32_0 = arith.constant 0 : i32
    %c0_i32_1 = arith.constant 0 : i32
    return %c0_i32, %c0_i32_0 : i32, i32
  }
  func.func @transform_7(%arg0: i32) -> (i32, i32) {
    %c0_i32 = arith.constant 0 : i32
    %c0_i32_0 = arith.constant 0 : i32
    %c0_i32_1 = arith.constant 0 : i32
    return %c0_i32, %c0_i32_0 : i32, i32
  }
  func.func @transform_8(%arg0: i32) -> (i32, i32) {
    %c0_i32 = arith.constant 0 : i32
    %c0_i32_0 = arith.constant 0 : i32
    %c0_i32_1 = arith.constant 0 : i32
    return %c0_i32, %c0_i32_0 : i32, i32
  }
  func.func @transform_9(%arg0: i32) -> (i32, i32) {
    %c0_i32 = arith.constant 0 : i32
    %c0_i32_0 = arith.constant 0 : i32
    %c0_i32_1 = arith.constant 0 : i32
    return %c0_i32, %c0_i32_0 : i32, i32
  }
  func.func @transform_10(%arg0: i32) -> (i32, i32) {
    %c0_i32 = arith.constant 0 : i32
    %c0_i32_0 = arith.constant 0 : i32
    %c0_i32_1 = arith.constant 0 : i32
    return %c0_i32, %c0_i32_0 : i32, i32
  }
  func.func @transform_11(%arg0: i32) -> (i32, i32) {
    %c0_i32 = arith.constant 0 : i32
    %c0_i32_0 = arith.constant 0 : i32
    %c0_i32_1 = arith.constant 0 : i32
    return %c0_i32, %c0_i32_0 : i32, i32
  }
  func.func @transform_12(%arg0: i32) -> (i32, i32) {
    %c0_i32 = arith.constant 0 : i32
    %c0_i32_0 = arith.constant 0 : i32
    %c0_i32_1 = arith.constant 0 : i32
    return %c0_i32, %c0_i32_0 : i32, i32
  }
  func.func @transform_13(%arg0: i32) -> (i32, i32) {
    %c0_i32 = arith.constant 0 : i32
    %c0_i32_0 = arith.constant 0 : i32
    %c0_i32_1 = arith.constant 0 : i32
    return %c0_i32, %c0_i32_0 : i32, i32
  }
  func.func @transform_14(%arg0: i32) -> (i32, i32) {
    %c0_i32 = arith.constant 0 : i32
    %c0_i32_0 = arith.constant 0 : i32
    %c0_i32_1 = arith.constant 0 : i32
    return %c0_i32, %c0_i32_0 : i32, i32
  }
  func.func @transform_15(%arg0: i32) -> (i32, i32) {
    %c0_i32 = arith.constant 0 : i32
    %c0_i32_0 = arith.constant 0 : i32
    %c0_i32_1 = arith.constant 0 : i32
    return %c0_i32, %c0_i32_0 : i32, i32
  }
  func.func @transform_16(%arg0: i32) -> (i32, i32) {
    %c0_i32 = arith.constant 0 : i32
    %c0_i32_0 = arith.constant 0 : i32
    %c0_i32_1 = arith.constant 0 : i32
    return %c0_i32, %c0_i32_0 : i32, i32
  }
  func.func @transform_17(%arg0: i32) -> (i32, i32) {
    %c0_i32 = arith.constant 0 : i32
    %c0_i32_0 = arith.constant 0 : i32
    %c0_i32_1 = arith.constant 0 : i32
    return %c0_i32, %c0_i32_0 : i32, i32
  }
  func.func @transform_18(%arg0: i32) -> (i32, i32) {
    %c0_i32 = arith.constant 0 : i32
    %c0_i32_0 = arith.constant 0 : i32
    return %arg0, %c0_i32 : i32, i32
  }
  func.func @transform_19(%arg0: i32) -> (i32, i32) {
    %c0_i32 = arith.constant 0 : i32
    %c0_i32_0 = arith.constant 0 : i32
    return %arg0, %c0_i32 : i32, i32
  }
}

</mosaic_0001>

<sc_bundles>
// kernel: kernel.4.cloned.1.call-start
scs
__scs_entry_jumppad:
0x0: {  	(pc) =	sbr.rel $0x88, $3  }
0x1: {  	(tag) =	ssettag $0x0;
	lr =	simm.s32 $0x1  }
0x2: {  	[smem:$0x3F94] =	sst lr;
	_ =	strace $0xD0000000  }
0x3: {  	_ = 	snop  }
0x4: {  	_ = 	snop  }
0x5: {  	_ = 	snop  }
0x6: {  	_ = 	snop  }
0x7: {  	_ = 	snop  }
__scs_overlays_trampoline_lowered:
0x8: {  	[smem:$0x3FA3] =	sst s0  }
0x9: {  	[smem:$0x3FA4] =	sst s1  }
0xa: {  	[smem:$0x3FA5] =	sst s2  }
0xb: {  	[smem:$0x3FA6] =	sst s3  }
0xc: {  	[smem:$0x3FA7] =	sst s4  }
0xd: {  	[smem:$0x3FA8] =	sst s5  }
0xe: {  	[smem:$0x3FA9] =	sst s6  }
0xf: {  	[smem:$0x3FAA] =	sst s7  }
0x10: {  	[smem:$0x3FAB] =	sst s8  }
0x11: {  	[smem:$0x3FAC] =	sst s9;
	s0 =	simm.s32 @!p0 $0x0  }
0x12: {  	s1 =	sld [smem:$0x3F92];
	s0 =	simm.s32 @p0 $0x1  }
0x13: {  	[smem:$0x3FAD] =	sst s0;
	s0 =	simm.s32 @!p1 $0x0  }
0x14: {  	s2 =	sld [smem:$0x3F91];
	s0 =	simm.s32 @p1 $0x1  }
0x15: {  	[smem:$0x3FAE] =	sst s0;
	s0 =	simm.s32 @!p2 $0x0  }
0x16: {  	s3 =	sld [smem:$0x3FDB];
	s0 =	simm.s32 @p2 $0x1  }
0x17: {  	s4 =	simm.s32 $0x1BF5;
	[smem:$0x3FB0] =	sst s0  }
0x18: {  	s0 =	sld [smem:$0x3F93];
	_ =	swait.ge [sflag:s4], $0x0  }
0x19: {  	s7 =	sld [smem:$0x3F94]  }
0x1a: {  	s8 =	sadd.s32 $0xFFFFE003, lr  }
0x1b: {  	s9 =	sadd.s32 $0xFFFFFEF7, lr;
	s5 =	simm.s32 $0xFFFFFFFF;
	p2 =	slt.u32 s8, $0xFFFFF086  }
0x1c: {  	p1 =	slt.u32 s9, $0xF7A;
	s5 =	simm.s32 @!p2 $0x0  }
0x1d: {  	s5 =	simm.s32 @p1 $0x1;
	p0 =	seq.s32 s7, s2  }
0x1e: {  	s7 =	smul.u32 @!p0 $0xF7A, s2;
	p2 =	seq.s32 @!p0 s5, $0x0  }
0x1f: {  	s9 =	smul.u32 $0xF7A, s1;
	s8 =	simm.s32 @!p0 $0x1BF5;
	p2 =	por !p2, p0  }
0x20: {  	[sflag:s8] =	ssyncset.s32 @!p0 $0xFFFFF086;
	s6 =	sadd.s32 @!p0 s3, s7;
	s7 =	simm.s32 @!p0 $0x108  }
0x21: {  	s3 =	sadd.s32 s3, s9;
	s6 =	sadd.s32 @!p0 $0x88, s6;
	s7 =	simm.s32 @p2 $0x1082  }
0x22: {  	[simem:s7], [sflag:s8] =	dma.local @!p0 [hbm:s6], $0xF7A  }
0x23: {  	s9 =	sor.u32 $0xD0000000, s2;
	s6 =	simm.s32 $0x108;
	_ =	swait.ge @!p0 [sflag:s8], $0x0  }
0x24: {  	s3 =	sadd.s32 $0x88, s3;
	s6 =	simm.s32 @!p1 $0x1082;
	[sflag:s4] =	ssyncset.s32 $0xFFFFF086  }
0x25: {  	[simem:s6], [sflag:s4] =	dma.local [hbm:s3], $0xF7A  }
0x26: {  	[smem:$0x3F94] =	sst s1;
	(tag) =	ssettag s2;
	_ =	strace s9  }
0x27: {  	s1 =	sld [smem:$0x3FA4]  }
0x28: {  	s2 =	sld [smem:$0x3FA5]  }
0x29: {  	s4 =	sld [smem:$0x3FA7]  }
0x2a: {  	p0 =	seq.s32 s5, $0x0;
	s5 =	sld [smem:$0x3FA8]  }
0x2b: {  	s6 =	sld [smem:$0x3FA9]  }
0x2c: {  	s7 =	sld [smem:$0x3FAA]  }
0x2d: {  	s3 =	simm.s32 $0x108;
	s8 =	sld [smem:$0x3FAB]  }
0x2e: {  	s3 =	simm.s32 @!p0 $0x1082;
	s9 =	sld [smem:$0x3FAC]  }
0x2f: {  	lr =	sadd.s32 s0, s3;
	s0 =	sld [smem:$0x3FA3]  }
0x30: {  	s3 =	sld [smem:$0x3FA6]  }
0x31: {  	[smem:$0x3FAF] =	sst s10  }
0x32: {  	s10 =	sld [smem:$0x3FAD];
	_ =	sdelay $0x3  }
0x33: {  	p0 =	seq.s32 s10, $0x1;
	s10 =	sld [smem:$0x3FAF];
	_ =	sdelay $0x3  }
0x34: {  	[smem:$0x3FAF] =	sst s10  }
0x35: {  	s10 =	sld [smem:$0x3FAE];
	_ =	sdelay $0x3  }
0x36: {  	p1 =	seq.s32 s10, $0x1;
	s10 =	sld [smem:$0x3FAF];
	_ =	sdelay $0x3  }
0x37: {  	[smem:$0x3FAF] =	sst s10  }
0x38: {  	s10 =	sld [smem:$0x3FB0]  }
0x39: {  	_ = 	snop;
	(pc) =	sbr.ind lr, $3  }
0x3a: {  	_ = 	snop  }
0x3b: {  	_ = 	snop  }
0x3c: {  	p2 =	seq.s32 s10, $0x1;
	s10 =	sld [smem:$0x3FAF]  }
0x3d: {  	_ =	shalt  }
0x3e: {  	_ =	shalt  }
0x3f: {  	_ =	shalt  }
0x40: {  	_ =	shalt  }
0x41: {  	_ =	shalt  }
0x42: {  	_ =	shalt  }
0x43: {  	_ =	shalt  }
0x44: {  	_ =	shalt  }
0x45: {  	_ =	shalt  }
0x46: {  	_ =	shalt  }
0x47: {  	_ =	shalt  }
0x48: {  	_ =	shalt  }
0x49: {  	_ =	shalt  }
0x4a: {  	_ =	shalt  }
0x4b: {  	_ =	shalt  }
0x4c: {  	_ =	shalt  }
0x4d: {  	_ =	shalt  }
0x4e: {  	_ =	shalt  }
0x4f: {  	_ =	shalt  }
0x50: {  	_ =	shalt  }
0x51: {  	_ =	shalt  }
0x52: {  	_ =	shalt  }
0x53: {  	_ =	shalt  }
0x54: {  	_ =	shalt  }
0x55: {  	_ =	shalt  }
0x56: {  	_ =	shalt  }
0x57: {  	_ =	shalt  }
0x58: {  	_ =	shalt  }
0x59: {  	_ =	shalt  }
0x5a: {  	_ =	shalt  }
0x5b: {  	_ =	shalt  }
0x5c: {  	_ =	shalt  }
0x5d: {  	_ =	shalt  }
0x5e: {  	_ =	shalt  }
0x5f: {  	_ =	shalt  }
0x60: {  	_ =	shalt  }
0x61: {  	_ =	shalt  }
0x62: {  	_ =	shalt  }
0x63: {  	_ =	shalt  }
0x64: {  	_ =	shalt  }
0x65: {  	_ =	shalt  }
0x66: {  	_ =	shalt  }
0x67: {  	_ =	shalt  }
0x68: {  	_ =	shalt  }
0x69: {  	_ =	shalt  }
0x6a: {  	_ =	shalt  }
0x6b: {  	_ =	shalt  }
0x6c: {  	_ =	shalt  }
0x6d: {  	_ =	shalt  }
0x6e: {  	_ =	shalt  }
0x6f: {  	_ =	shalt  }
0x70: {  	_ =	shalt  }
0x71: {  	_ =	shalt  }
0x72: {  	_ =	shalt  }
0x73: {  	_ =	shalt  }
0x74: {  	_ =	shalt  }
0x75: {  	_ =	shalt  }
0x76: {  	_ =	shalt  }
0x77: {  	_ =	shalt  }
0x78: {  	_ =	shalt  }
0x79: {  	_ =	shalt  }
0x7a: {  	_ =	shalt  }
0x7b: {  	_ =	shalt  }
0x7c: {  	_ =	shalt  }
0x7d: {  	_ =	shalt  }
0x7e: {  	_ =	shalt  }
0x7f: {  	_ =	shalt  }
0x80: {  	_ =	shalt  }
0x81: {  	_ =	shalt  }
0x82: {  	_ =	shalt  }
0x83: {  	_ =	shalt  }
0x84: {  	_ =	shalt  }
0x85: {  	_ =	shalt  }
0x86: {  	_ =	shalt  }
0x87: {  	_ =	shalt  }
.Lfunc_end0:
.L_simem_size_0:
called_computation.1_lowered:
.L_overlay_start_0:
0x88: {  	s2 =	sld [smem:$0x3FD9]  }
0x89: {  	s3 =	sld [smem:$0x3FFE];
	_ =	sdelay $0x1  }
0x8a: {  	s1 =	srdreg.scid  }
0x8b: {  	s0 =	sand.u32 $0x1, s1  }
0x8c: {  	s14 =	sshll.u32 s0, $0xA;
	s2 =	sadd.s32 s3, s2  }
0x8d: {  	s2 =	sadd.s32 s2, s14  }
0x8e: {  	[smem:$0x3FBB] =	sst s2  }
0x8f: {  	_ = 	snop  }
0x90: {  	s2 =	sld [smem:$0x3FD0];
	_ =	sdelay $0x2  }
0x91: {  	s15 =	simm.s32 $0xA;
	s4 =	simm.s32 $0x10  }
0x92: {  	[smem:s4], [sflag:s15] =	dma.local [hbm:s2], $0x1  }
0x93: {  	_ =	swait.eq [sflag:s15], $0x1  }
0x94: {  	[sflag:s15] =	ssyncset.done $0x0  }
0x95: {  	[sflag:s15] =	ssyncadd.s32 $0xFFFFFFFF  }
0x96: {  	s16 =	sld [smem:$0x10];
	(tm) =	ssettm $0x1  }
0x97: {  	s17 =	sld [smem:$0x3FFB];
	_ =	sdelay $0x3  }
0x98: {  	_ =	strace s17  }
0x99: {  	s3 =	sld [smem:$0x3FFC];
	_ =	sdelay $0x3  }
0x9a: {  	_ =	strace s3  }
0x9b: {  	s3 =	sld [smem:$0x3FFD];
	_ =	sdelay $0x3  }
0x9c: {  	_ =	strace s3  }
0x9d: {  	_ =	strace $0x8FFFFFFF  }
0x9e: {  	s18 =	sld [smem:$0x3FDB];
	_ =	sdelay $0x1  }
0x9f: {  	s19 =	simm.s32 $_scs_section_size  }
0xa0: {  	s5 =	simm.s32 $_size__tile_overlayer_lowered;
	s6 =	simm.s32 $_tile_overlayer_lowered  }
0xa1: {  	s22 =	simm.s32 $0x1BFF;
	s21 =	sshll.u32 s6, $0x1;
	s3 =	sadd.s32 s19, s18  }
0xa2: {  	s7 =	simm.s32 $0x0;
	s20 =	sshll.u32 s5, $0x1;
	s5 =	sadd.s32 s21, s3  }
0xa3: {  	[timem:s7], [sflag:s22] =	dma.local [hbm:s5], s20  }
0xa4: {  	_ =	swait.ge [sflag:s22], s20  }
0xa5: {  	s4 =	ssub.s32 $0x0, s20;
	[sflag:s22] =	ssyncset.done $0x0  }
0xa6: {  	[sflag:s22] =	ssyncadd.s32 s4;
	_ =	sdelay $0x1  }
0xa7: {  	s23 =	simm.s32 $0x1B8B  }
0xa8: {  	_ =	swait.ge [sflag:s23], $0x1  }
0xa9: {  	[sflag:s23] =	ssyncset.done $0x0  }
0xaa: {  	s25 =	simm.s32 $0x1B8E;
	s24 =	sld [smem:$0x3FFE];
	[sflag:s23] =	ssyncadd.s32 $0xFFFFFFFF  }
0xab: {  	s26 =	simm.s32 $execute0_lowered;
	[smem:$0x3FD2] =	sst s25  }
0xac: {  	s5 =	sshll.u32 s26, $0x1;
	_ =	strace $0x80000049;
	[dreg:$0x1] =	wrdreg $0xFFFFFFFF  }
0xad: {  	s28 =	simm.s32 $_size_execute0_lowered;
	s3 =	sadd.s32 s3, s5;
	[dreg:$0x0] =	wrdreg $0x0  }
0xae: {  	s5 =	sshll.u32 s28, $0x1;
	[dreg:$0x2] =	wrdreg s3  }
0xaf: {  	[dreg:$0x3] =	wrdreg s5  }
0xb0: {  	[dreg:$0x4] =	wrdreg $0xC0  }
0xb1: {  	_ =	task [dreg:s7], $0x5FFFF  }
0xb2: {  	[dreg:$0x1] =	wrdreg $0xFFFFFFFF  }
0xb3: {  	[dreg:$0x0] =	wrdreg $0x60  }
0xb4: {  	[dreg:$0x2] =	wrdreg s24  }
0xb5: {  	[dreg:$0x3] =	wrdreg s16  }
0xb6: {  	[dreg:$0x4] =	wrdreg $0x106800  }
0xb7: {  	[dreg:$0x5] =	wrdreg $0x12E800  }
0xb8: {  	[dreg:$0x6] =	wrdreg $0x9  }
0xb9: {  	_ =	task.clear_ibuf [dreg:s7], $0x7FFFF;
	_ =	strace $0x90000049  }
0xba: {  	s29 =	simm.s32 $0x9;
	_ =	strace $0x8000004B  }
0xbb: {  	_ =	swait.ge [sflag:s29], $0x1  }
0xbc: {  	[sflag:s29] =	ssyncadd.s32 $0xFFFFFFFF  }
0xbd: {  	_ =	strace $0x9000004B  }
0xbe: {  	_ =	sfence  }
0xbf: {  	s30 =	sld [smem:$0x0];
	_ =	sdelay $0x2  }
0xc0: {  	s31 =	sshll.u32 s1, $0xD;
	s1 =	sshrl.u32 s1, $0x2  }
0xc1: {  	s3 =	sand.u32 $0x4000, s31;
	s1 =	sadd.s32 s1, s30  }
0xc2: {  	s0 =	sor.u32 s3, s0;
	s1 =	sshll.u32 s1, $0x11  }
0xc3: {  	s0 =	sor.u32 s1, s0  }
0xc4: {  	s0 =	sadd.s32 $0x8F2B, s0  }
0xc5: {  	[sflag:s0] =	ssyncadd.remote.s32 $0x1  }
0xc6: {  	_ =	sfence.sel $0xFFFF  }
0xc7: {  	[dreg:$0x0] =	wrdreg $0xFFFFFFFF;
	(pc) =	sbr.abs _section_cstart, $3  }
0xc8: {  	[dreg:$0x1] =	wrdreg $0xFFFFFFFF  }
0xc9: {  	_ =	task.clear_ibuf [dreg:s7], $0x2FFFF;
	_ =	strace $0x9FFFFFFF  }
0xca: {  	(tm) =	ssettm $0x7FFFFFFF  }
0xcb: {  	_ =	shalt  }
tec
execute0_lowered:
.L_overlay_start_1:
0x0: {  	(tag) =	ssettag $0x1  }
0x1: {  	s0 =	rddreg [dreg:$0x0]  }
0x2: {  	s1 =	srdreg.scid;
	s18 =	stileid.u32  }
0x3: {  	s7 =	rddreg [dreg:$0x1];
	s8 =	smul.u32 $0x2800, s18  }
0x4: {  	s2 =	rddreg [dreg:$0x2];
	s4 =	simm.s32 $0x0;
	s22 =	smul.u32 $0x7800, s18  }
0x5: {  	s28 =	simm.s32 $0x2;
	s1 =	sand.u32 $0x1, s1;
	s19 =	smul.u32 $0x4E20, s18  }
0x6: {  	s29 =	simm.s32 $0x3;
	s3 =	sshll.u32 s18, $0x1;
	s9 =	smul.u32 $0x28000, s1  }
0x7: {  	s30 =	simm.s32 $0x4;
	s6 =	sor.u32 s1, s3;
	s25 =	smul.u32 $0x78000, s1  }
0x8: {  	s31 =	simm.s32 $0x2700;
	s15 =	sadd.s32 $0x9C6A00, s0;
	s5 =	smul.u32 $0x500, s6  }
0x9: {  	[smem:$0x7FF] =	sst s4;
	s14 =	sadd.s32 $0x4EEA00, s0;
	s12 =	smul.u32 $0x2710, s6  }
0xa: {  	s3 =	rddreg [dreg:$0x3];
	s11 =	ssub.s32 $0x2, s1;
	s13 =	smul.u32 $0x4E20, s6  }
0xb: {  	_ =	strace $0x8000004A;
	s23 =	sshrl.u32 s11, $0x1;
	s24 =	smul.u32 $0xEA60, s6  }
0xc: {  	s6 =	sadd.s32 s22, s3;
	s21 =	sadd.s32 s8, s9;
	s16 =	ssub.s32 s11, s23  }
0xd: {  	s23 =	smul.u32 $0x1D4C0, s18;
	s18 =	simm.s32 $0x6680;
	s10 =	sadd.s32 s5, s0  }
0xe: {  	s5 =	sshrl.u32 s21, $0x3;
	s17 =	sadd.s32 $0x2693, s12;
	s26 =	sadd.s32 s15, s13  }
0xf: {  	s13 =	sadd.s32 s22, s25;
	s21 =	smul.u32 $0x2710, s1;
	s22 =	smax.u32 s16, $0x1  }
0x10: {  	s1 =	smul.u32 $0xEA60, s1;
	s0 =	sadd.s32 s5, s0;
	s5 =	sadd.s32 s8, s2  }
0x11: {  	s10 =	sadd.s32 $0x4E4A00, s10;
	[dreg:$0x6] =	wrdreg s26;
	s12 =	smul.u32 $0x6, s17  }
0x12: {  	s8 =	sadd.s32 s14, s24;
	s20 =	sshrl.u32 s13, $0x3;
	[dreg:$0xa] =	wrdreg s22  }
0x13: {  	s24 =	sshll.u32 s17, $0x1;
	s22 =	simm.s32 $0x37A0;
	[dreg:$0x5] =	wrdreg s10  }
0x14: {  	[dreg:$0x7] =	wrdreg s8;
	s0 =	sadd.s32 $0x6C3600, s0;
	s8 =	sadd.s32 s21, s19  }
0x15: {  	s13 =	sadd.s32 s15, s24;
	s19 =	simm.s32 $0x5;
	s21 =	simm.s32 $0x2800  }
0x16: {  	s24 =	simm.s32 $0x2FD0;
	[dreg:$0x8] =	wrdreg s0;
	s0 =	sadd.s32 s7, s20  }
0x17: {  	s25 =	sshll.u32 s8, $0x1;
	s20 =	simm.s32 $0x8E80;
	[dreg:$0x9] =	wrdreg s0  }
0x18: {  	s0 =	sadd.s32 s23, s14;
	s14 =	sadd.s32 s14, s12;
	s26 =	sadd.s32 s15, s25  }
0x19: {  	s23 =	simm.s32 $0x1;
	s25 =	simm.s32 $0x4F10;
	s0 =	sadd.s32 s1, s0  }
0x1a: {  	s10 =	sadd.s32 $0xFA, s26;
	s17 =	sadd.s32 $0x1F4, s26;
	s26 =	simm.s32 $0x7D  }
0x1b: {  	v0 =	vimm.f32 $0.0e+00;
	s1 =	simm.s32 $0x2780;
	s9 =	sadd.s32 $0x2EE, s0;
	s0 =	simm.s32 $0x0  }
.LBB2_1:
0x1c: {  	s8 =	simm.s32 $0x0  }
0x1d: {  	s7 =	simm.s32 $0x8EA0;
	[tilespmem:s8+$0x6680] =	vst v0  }
0x1e: {  	[tilespmem:s7+$0xFFFFFFE0] =	vst v0  }
0x1f: {  	[tilespmem:s7+$0xFFFFFFF0] =	vst v0  }
0x20: {  	s8 =	simm.s32 $0x40;
	[tilespmem:s7+$0x0] =	vst v0  }
.LBB2_2:
0x21: {  	p0 =	sne.s32 s8, $0x9FC0  }
.Ltmp0:
0x22: {  	s15 =	sshra.s32 s8, $0x2;
	(pc) =	sbr.rel @p0 .LBB2_2-.Ltmp0, $4  }
0x23: {  	s8 =	sadd.s32 $0x40, s8;
	s7 =	sadd.s32 $0x30, s7;
	[tilespmem:s15+$0x6680] =	vst v0  }
0x24: {  	[tilespmem:s7+$0xFFFFFFE0] =	vst v0  }
0x25: {  	[tilespmem:s7+$0xFFFFFFF0] =	vst v0  }
0x26: {  	[tilespmem:s7+$0x0] =	vst v0  }
0x27: {  	[spmem:s5] =	stream.linear.scatter [tilespmem:s18], [sflag:$0x5], $0x2800, $0x38;
	[tilespmem:$0x1A680] =	vst v63  }
0x28: {  	_ =	swait.ge [sflag:s19], $0x2800  }
0x29: {  	[sflag:s19] =	ssyncset.done $0x0  }
0x2a: {  	[sflag:s19] =	ssyncadd.s32 $0xFFFFD800  }
0x2b: {  	[spmem:s6] =	stream.linear.scatter [tilespmem:s20], [sflag:$0x5], $0x7800, $0x38;
	[tilespmem:$0x1A680] =	vst v63  }
0x2c: {  	_ =	swait.ge [sflag:s19], $0x7800  }
0x2d: {  	[sflag:s19] =	ssyncset.done $0x0  }
0x2e: {  	[sflag:s19] =	ssyncadd.s32 $0xFFFF8800  }
0x2f: {  	[bflag:$0x0] =	sbarrier.arrive $0xFFFF  }
0x30: {  	s7 =	simm.s32 $0x0;
	s8 =	rddreg [dreg:$0x5]  }
0x31: {  	[tilespmem:s7], [sflag:$0x5] =	stream.linear.gather [hbm4b:s8+s7], $0x2800, $0x38;
	[tilespmem:$0x1A680] =	vst v63  }
0x32: {  	_ =	swait.ge [sflag:s19], $0x2800  }
0x33: {  	[sflag:s19] =	ssyncset.done $0x0  }
0x34: {  	s16 =	rddreg [dreg:$0x6];
	[sflag:s19] =	ssyncadd.s32 $0xFFFFD800  }
0x35: {  	[tilespmem:s21], [sflag:$0x1] =	stream.linear.gather [hbm4b:s16+s7], $0x7D0, $0x38;
	[tilespmem:$0x1A680] =	vst v63  }
0x36: {  	s11 =	rddreg [dreg:$0x7]  }
0x37: {  	[tilespmem:s22], [sflag:$0x1] =	stream.linear.gather [hbm4b:s11+s7], $0x1770, $0x38;
	[tilespmem:$0x1A680] =	vst v63  }
0x38: {  	_ =	swait.ge [sflag:s23], $0x7D0  }
0x39: {  	[sflag:s23] =	ssyncset.done $0x0  }
0x3a: {  	[sflag:s23] =	ssyncadd.s32 $0xFFFFF830  }
0x3b: {  	_ =	swait.ge [sflag:s23], $0x1770  }
0x3c: {  	[sflag:s23] =	ssyncset.done $0x0  }
0x3d: {  	[sflag:s23] =	ssyncadd.s32 $0xFFFFE890  }
0x3e: {  	[tilespmem:s24], [sflag:$0x2] =	stream.linear.gather [hbm4b:s10+s4], $0x7D0, $0x38;
	[tilespmem:$0x1A680] =	vst v63  }
0x3f: {  	_ = 	snop  }
0x40: {  	[tilespmem:s25], [sflag:$0x2] =	stream.linear.gather [hbm4b:s9+s4], $0x1770, $0x38;
	[tilespmem:$0x1A680] =	vst v63  }
0x41: {  	s12 =	simm.s32 $0x0  }
0x42: {  	[spmem:s2] =	stream.indirect.scatter.add.f32 [tilespmem:s21], [sflag:$0x3], $0x10, s12, s26, $0xb8;
	[tilespmem:$0x1A680] =	vst v63  }
0x43: {  	_ = 	snop  }
0x44: {  	[spmem:s3] =	stream.indirect.scatter.add.f32 [tilespmem:s22], [sflag:$0x3], $0x30, s12, s26, $0xb8;
	[tilespmem:$0x1A680] =	vst v63  }
0x45: {  	_ =	swait.ge [sflag:s28], $0x7D0  }
0x46: {  	[sflag:s28] =	ssyncset.done $0x0  }
0x47: {  	[sflag:s28] =	ssyncadd.s32 $0xFFFFF830  }
0x48: {  	_ =	swait.ge [sflag:s28], $0x1770  }
0x49: {  	[sflag:s28] =	ssyncset.done $0x0  }
0x4a: {  	[sflag:s28] =	ssyncadd.s32 $0xFFFFE890  }
0x4b: {  	_ =	swait.ge [sflag:s29], $0x7D0  }
0x4c: {  	[sflag:s29] =	ssyncset.done $0x0  }
0x4d: {  	[sflag:s29] =	ssyncadd.s32 $0xFFFFF830  }
0x4e: {  	_ =	swait.ge [sflag:s29], $0x1770  }
0x4f: {  	[sflag:s29] =	ssyncset.done $0x0  }
0x50: {  	[sflag:s29] =	ssyncadd.s32 $0xFFFFE890  }
0x51: {  	[tilespmem:s21], [sflag:$0x1] =	stream.linear.gather [hbm4b:s17+s4], $0x7D0, $0x38;
	[tilespmem:$0x1A680] =	vst v63  }
0x52: {  	s15 =	sadd.s32 $0x2EE, s9  }
0x53: {  	[tilespmem:s22], [sflag:$0x1] =	stream.linear.gather [hbm4b:s15+s4], $0x1770, $0x38;
	[tilespmem:$0x1A680] =	vst v63  }
0x54: {  	s16 =	simm.s32 $0x80  }
0x55: {  	[spmem:s2] =	stream.indirect.scatter.add.f32 [tilespmem:s24], [sflag:$0x4], $0x10, s16, s26, $0xb8;
	[tilespmem:$0x1A680] =	vst v63  }
0x56: {  	_ = 	snop  }
0x57: {  	[spmem:s3] =	stream.indirect.scatter.add.f32 [tilespmem:s25], [sflag:$0x4], $0x30, s16, s26, $0xb8;
	[tilespmem:$0x1A680] =	vst v63  }
0x58: {  	_ =	swait.ge [sflag:s30], $0x7D0  }
0x59: {  	[sflag:s30] =	ssyncset.done $0x0  }
0x5a: {  	[sflag:s30] =	ssyncadd.s32 $0xFFFFF830  }
0x5b: {  	s8 =	sadd.s32 $0x1F4, s17;
	s7 =	simm.s32 $0x400;
	_ =	swait.ge [sflag:s30], $0x1770  }
0x5c: {  	s15 =	smov.u32 s9;
	s16 =	smov.u32 s10;
	[sflag:s30] =	ssyncset.done $0x0  }
.LBB2_4:
0x5d: {  	[sflag:s30] =	ssyncadd.s32 $0xFFFFE890  }
0x5e: {  	s15 =	sadd.s32 $0x5DC, s15;
	s16 =	sadd.s32 $0x1F4, s16;
	s11 =	smov.u32 s7  }
0x5f: {  	p0 =	sne.s32 s7, $0x9800;
	s7 =	sadd.s32 $0x400, s7;
	_ =	swait.ge [sflag:s23], $0x7D0  }
0x60: {  	[sflag:s23] =	ssyncset.done $0x0  }
0x61: {  	[sflag:s23] =	ssyncadd.s32 $0xFFFFF830  }
0x62: {  	_ =	swait.ge [sflag:s23], $0x1770  }
0x63: {  	[sflag:s23] =	ssyncset.done $0x0  }
0x64: {  	[sflag:s23] =	ssyncadd.s32 $0xFFFFE890  }
0x65: {  	[tilespmem:s24], [sflag:$0x2] =	stream.linear.gather [hbm4b:s16+s4], $0x7D0, $0x38;
	[tilespmem:$0x1A680] =	vst v63  }
0x66: {  	_ = 	snop  }
0x67: {  	[tilespmem:s25], [sflag:$0x2] =	stream.linear.gather [hbm4b:s15+s4], $0x1770, $0x38;
	[tilespmem:$0x1A680] =	vst v63  }
0x68: {  	s11 =	sshra.s32 s11, $0x2  }
0x69: {  	[spmem:s2] =	stream.indirect.scatter.add.f32 [tilespmem:s21], [sflag:$0x3], $0x10, s11, s26, $0xb8;
	[tilespmem:$0x1A680] =	vst v63  }
0x6a: {  	_ = 	snop  }
0x6b: {  	[spmem:s3] =	stream.indirect.scatter.add.f32 [tilespmem:s22], [sflag:$0x3], $0x30, s11, s26, $0xb8;
	[tilespmem:$0x1A680] =	vst v63  }
0x6c: {  	_ =	swait.ge [sflag:s28], $0x7D0  }
0x6d: {  	[sflag:s28] =	ssyncset.done $0x0  }
0x6e: {  	[sflag:s28] =	ssyncadd.s32 $0xFFFFF830  }
0x6f: {  	_ =	swait.ge [sflag:s28], $0x1770  }
0x70: {  	[sflag:s28] =	ssyncset.done $0x0  }
0x71: {  	[sflag:s28] =	ssyncadd.s32 $0xFFFFE890  }
0x72: {  	_ =	swait.ge [sflag:s29], $0x7D0  }
0x73: {  	[sflag:s29] =	ssyncset.done $0x0  }
0x74: {  	[sflag:s29] =	ssyncadd.s32 $0xFFFFF830  }
0x75: {  	_ =	swait.ge [sflag:s29], $0x1770  }
0x76: {  	[sflag:s29] =	ssyncset.done $0x0  }
0x77: {  	[sflag:s29] =	ssyncadd.s32 $0xFFFFE890  }
0x78: {  	[tilespmem:s21], [sflag:$0x1] =	stream.linear.gather [hbm4b:s8+s4], $0x7D0, $0x38;
	[tilespmem:$0x1A680] =	vst v63  }
0x79: {  	s12 =	sadd.s32 $0x2EE, s15  }
0x7a: {  	[tilespmem:s22], [sflag:$0x1] =	stream.linear.gather [hbm4b:s12+s4], $0x1770, $0x38;
	[tilespmem:$0x1A680] =	vst v63  }
0x7b: {  	s11 =	sadd.s32 $0x80, s11  }
0x7c: {  	[spmem:s2] =	stream.indirect.scatter.add.f32 [tilespmem:s24], [sflag:$0x4], $0x10, s11, s26, $0xb8;
	[tilespmem:$0x1A680] =	vst v63  }
0x7d: {  	_ = 	snop  }
0x7e: {  	[spmem:s3] =	stream.indirect.scatter.add.f32 [tilespmem:s25], [sflag:$0x4], $0x30, s11, s26, $0xb8;
	[tilespmem:$0x1A680] =	vst v63  }
.Ltmp1:
0x7f: {  	_ =	swait.ge [sflag:s30], $0x7D0;
	(pc) =	sbr.rel @p0 .LBB2_4-.Ltmp1, $4  }
0x80: {  	[sflag:s30] =	ssyncset.done $0x0  }
0x81: {  	[sflag:s30] =	ssyncadd.s32 $0xFFFFF830  }
0x82: {  	_ =	swait.ge [sflag:s30], $0x1770  }
0x83: {  	s8 =	sadd.s32 $0x1F4, s8;
	[sflag:s30] =	ssyncset.done $0x0  }
0x84: {  	[sflag:s30] =	ssyncadd.s32 $0xFFFFE890  }
0x85: {  	_ =	swait.ge [sflag:s23], $0x7D0  }
0x86: {  	[sflag:s23] =	ssyncset.done $0x0  }
0x87: {  	[sflag:s23] =	ssyncadd.s32 $0xFFFFF830  }
0x88: {  	_ =	swait.ge [sflag:s23], $0x1770  }
0x89: {  	[sflag:s23] =	ssyncset.done $0x0  }
0x8a: {  	[sflag:s23] =	ssyncadd.s32 $0xFFFFE890  }
0x8b: {  	[tilespmem:s24], [sflag:$0x2] =	stream.linear.gather [hbm4b:s13+s4], $0x7D0, $0x38;
	[tilespmem:$0x1A680] =	vst v63  }
0x8c: {  	_ = 	snop  }
0x8d: {  	[tilespmem:s25], [sflag:$0x2] =	stream.linear.gather [hbm4b:s14+s4], $0x1770, $0x38;
	[tilespmem:$0x1A680] =	vst v63  }
0x8e: {  	_ = 	snop  }
0x8f: {  	[spmem:s2] =	stream.indirect.scatter.add.f32 [tilespmem:s21], [sflag:$0x3], $0x10, s31, s26, $0xb8;
	[tilespmem:$0x1A680] =	vst v63  }
0x90: {  	_ = 	snop  }
0x91: {  	[spmem:s3] =	stream.indirect.scatter.add.f32 [tilespmem:s22], [sflag:$0x3], $0x30, s31, s26, $0xb8;
	[tilespmem:$0x1A680] =	vst v63  }
0x92: {  	_ =	swait.ge [sflag:s28], $0x7D0  }
0x93: {  	[sflag:s28] =	ssyncset.done $0x0  }
0x94: {  	[sflag:s28] =	ssyncadd.s32 $0xFFFFF830  }
0x95: {  	_ =	swait.ge [sflag:s28], $0x1770  }
0x96: {  	[sflag:s28] =	ssyncset.done $0x0  }
0x97: {  	[sflag:s28] =	ssyncadd.s32 $0xFFFFE890  }
0x98: {  	_ =	swait.ge [sflag:s29], $0x7D0  }
0x99: {  	[sflag:s29] =	ssyncset.done $0x0  }
0x9a: {  	[sflag:s29] =	ssyncadd.s32 $0xFFFFF830  }
0x9b: {  	_ =	swait.ge [sflag:s29], $0x1770  }
0x9c: {  	[sflag:s29] =	ssyncset.done $0x0  }
0x9d: {  	[sflag:s29] =	ssyncadd.s32 $0xFFFFE890  }
0x9e: {  	[spmem:s2] =	stream.indirect.scatter.add.f32 [tilespmem:s24], [sflag:$0x4], $0x10, s1, s26, $0xb8;
	[tilespmem:$0x1A680] =	vst v63  }
0x9f: {  	_ = 	snop  }
0xa0: {  	[spmem:s3] =	stream.indirect.scatter.add.f32 [tilespmem:s25], [sflag:$0x4], $0x30, s1, s26, $0xb8;
	[tilespmem:$0x1A680] =	vst v63  }
0xa1: {  	_ =	swait.ge [sflag:s30], $0x7D0  }
0xa2: {  	[sflag:s30] =	ssyncset.done $0x0  }
0xa3: {  	[sflag:s30] =	ssyncadd.s32 $0xFFFFF830  }
0xa4: {  	_ =	swait.ge [sflag:s30], $0x1770  }
0xa5: {  	[sflag:s30] =	ssyncset.done $0x0  }
0xa6: {  	[sflag:s30] =	ssyncadd.s32 $0xFFFFE890  }
0xa7: {  	[bflag:$0x0] =	sbarrier.arrive $0xFFFF  }
0xa8: {  	[tilespmem:s18], [sflag:$0x5] =	stream.linear.gather [spmem:s5], $0x2800, $0x38;
	[tilespmem:$0x1A680] =	vst v63  }
0xa9: {  	_ =	swait.ge [sflag:s19], $0x2800  }
0xaa: {  	[sflag:s19] =	ssyncset.done $0x0  }
0xab: {  	s7 =	rddreg [dreg:$0x8];
	[sflag:s19] =	ssyncadd.s32 $0xFFFFD800  }
0xac: {  	[hbm4b:s7+s4] =	stream.linear.scatter [tilespmem:s18], [sflag:$0x5], $0x2800, $0x38;
	[tilespmem:$0x1A680] =	vst v63  }
0xad: {  	_ =	swait.ge [sflag:s19], $0x2800  }
0xae: {  	[sflag:s19] =	ssyncset.done $0x0  }
0xaf: {  	[sflag:s19] =	ssyncadd.s32 $0xFFFFD800  }
0xb0: {  	[tilespmem:s20], [sflag:$0x5] =	stream.linear.gather [spmem:s6], $0x7800, $0x38;
	[tilespmem:$0x1A680] =	vst v63  }
0xb1: {  	_ =	swait.ge [sflag:s19], $0x7800  }
0xb2: {  	[sflag:s19] =	ssyncset.done $0x0  }
0xb3: {  	s15 =	rddreg [dreg:$0x9];
	[sflag:s19] =	ssyncadd.s32 $0xFFFF8800  }
0xb4: {  	[hbm4b:s15+s4] =	stream.linear.scatter [tilespmem:s20], [sflag:$0x5], $0x7800, $0x38;
	[tilespmem:$0x1A680] =	vst v63  }
0xb5: {  	_ =	swait.ge [sflag:s19], $0x7800  }
0xb6: {  	s0 =	sadd.s32 $0x1, s0;
	s16 =	rddreg [dreg:$0xa]  }
0xb7: {  	p0 =	sne.s32 s0, s16  }
.Ltmp2:
0xb8: {  	_ = 	snop;
	(pc) =	sbr.rel @p0 .LBB2_1-.Ltmp2, $3  }
0xb9: {  	_ =	sdelay $0x1  }
0xba: {  	[sflag:s19] =	ssyncset.done $0x0  }
0xbb: {  	[sflag:s19] =	ssyncadd.s32 $0xFFFF8800  }
0xbc: {  	_ =	sfence.sel $0x180000  }
0xbd: {  	[bflag:$0x0] =	sbarrier.arrive $0xFFFF  }
0xbe: {  	_ =	strace $0x9000004A  }
0xbf: {  	s0 =	stileid.u32;
	[bflag:$0x2] =	sbarrier.arrive $0xFFFF  }
0xc0: {  	p0 =	sne.s32 s0, $0x0;
	s0 =	rddreg [dreg:$0x4]  }
0xc1: {  	s0 =	sadd.s32 @!p0 $0x100000, s0  }
0xc2: {  	[sflag:s0] =	ssyncadd.tile.s32 @!p0 $0x1;
	_ =	shalt  }
.Lfunc_end2:
_tile_overlayer_lowered:
.L_overlay_start_2:
0xc3: {  	(tag) =	ssettag $0x2  }
0xc4: {  	s0 =	rddreg [dreg:$0x0];
	s2 =	stileid.u32  }
0xc5: {  	s1 =	rddreg [dreg:$0x1];
	p0 =	sne.s32 s2, $0x0  }
0xc6: {  	s3 =	rddreg [dreg:$0x2];
	[bflag:$0x3] =	sbarrier.arrive $0xFFFF;
	s2 =	simm.s32 @!p0 $0x1C05  }
0xc7: {  	[timem:s3], [sflag:s2] =	dma.local @!p0 [hbm:s0], s1  }
0xc8: {  	s0 =	simm.s32 @!p0 $0x5  }
0xc9: {  	_ =	swait.ge @!p0 [sflag:s0], s1  }
0xca: {  	s1 =	ssub.s32 @!p0 $0x0, s1;
	[sflag:s0] =	ssyncset.done @!p0 $0x0  }
0xcb: {  	[sflag:s0] =	ssyncadd.s32 @!p0 s1  }
0xcc: {  	[bflag:$0x3] =	sbarrier.arrive $0xFFFF  }
0xcd: {  	_ =	shalt  }

// kernel: sparse-core-data-format-call.cloned.1.call-start
scs
called_computation_lowered:
.L_overlay_start_0:
0x0: {  	s2 =	sld [smem:$0x3FD9]  }
0x1: {  	s3 =	sld [smem:$0x3FFE];
	_ =	sdelay $0x1  }
0x2: {  	s1 =	srdreg.scid  }
0x3: {  	s0 =	sand.u32 $0x1, s1  }
0x4: {  	s18 =	sshll.u32 s0, $0xA;
	s2 =	sadd.s32 s3, s2  }
0x5: {  	s2 =	sadd.s32 s2, s18  }
0x6: {  	[smem:$0x3FBB] =	sst s2  }
0x7: {  	_ = 	snop  }
0x8: {  	s2 =	sld [smem:$0x3FC5];
	(tm) =	ssettm $0x1  }
0x9: {  	s19 =	sld [smem:$0x3FFB];
	_ =	sdelay $0x3  }
0xa: {  	_ =	strace s19  }
0xb: {  	s3 =	sld [smem:$0x3FFC];
	_ =	sdelay $0x3  }
0xc: {  	_ =	strace s3  }
0xd: {  	s3 =	sld [smem:$0x3FFD];
	_ =	sdelay $0x3  }
0xe: {  	_ =	strace s3  }
0xf: {  	_ =	strace $0x8FFFFFFF  }
0x10: {  	s20 =	sld [smem:$0x3FDB];
	_ =	sdelay $0x1  }
0x11: {  	s4 =	simm.s32 $_scs_section_size  }
0x12: {  	s5 =	simm.s32 $_size__tile_overlayer_lowered;
	s6 =	simm.s32 $_tile_overlayer_lowered  }
0x13: {  	s23 =	simm.s32 $0x1BFF;
	s22 =	sshll.u32 s6, $0x1;
	s3 =	sadd.s32 s4, s20  }
0x14: {  	s7 =	simm.s32 $0x0;
	s21 =	sshll.u32 s5, $0x1;
	s5 =	sadd.s32 s22, s3  }
0x15: {  	[timem:s7], [sflag:s23] =	dma.local [hbm:s5], s21  }
0x16: {  	_ =	swait.ge [sflag:s23], s21  }
0x17: {  	s4 =	ssub.s32 $0x0, s21;
	[sflag:s23] =	ssyncset.done $0x0  }
0x18: {  	[sflag:s23] =	ssyncadd.s32 s4;
	_ =	sdelay $0x1  }
0x19: {  	s24 =	simm.s32 $0x1B8B  }
0x1a: {  	_ =	swait.ge [sflag:s24], $0x1  }
0x1b: {  	[sflag:s24] =	ssyncset.done $0x0  }
0x1c: {  	s26 =	simm.s32 $0x1B8E;
	s25 =	sld [smem:$0x3FFE];
	[sflag:s24] =	ssyncadd.s32 $0xFFFFFFFF  }
0x1d: {  	s27 =	simm.s32 $execute0_lowered;
	[smem:$0x3FD2] =	sst s26  }
0x1e: {  	s5 =	sshll.u32 s27, $0x1;
	_ =	strace $0x80000046;
	[dreg:$0x1] =	wrdreg $0xFFFFFFFF  }
0x1f: {  	s28 =	simm.s32 $_size_execute0_lowered;
	s3 =	sadd.s32 s3, s5;
	[dreg:$0x0] =	wrdreg $0x0  }
0x20: {  	s5 =	sshll.u32 s28, $0x1;
	[dreg:$0x2] =	wrdreg s3  }
0x21: {  	[dreg:$0x3] =	wrdreg s5  }
0x22: {  	[dreg:$0x4] =	wrdreg $0xC0  }
0x23: {  	_ =	task [dreg:s7], $0x5FFFF  }
0x24: {  	[dreg:$0x1] =	wrdreg $0xFFFFFFFF  }
0x25: {  	[dreg:$0x0] =	wrdreg $0x60  }
0x26: {  	[dreg:$0x2] =	wrdreg s2  }
0x27: {  	[dreg:$0x3] =	wrdreg s25  }
0x28: {  	[dreg:$0x4] =	wrdreg $0x9  }
0x29: {  	_ =	task.clear_ibuf [dreg:s7], $0x5FFFF;
	_ =	strace $0x90000046  }
0x2a: {  	s29 =	simm.s32 $0x9;
	_ =	strace $0x80000048  }
0x2b: {  	_ =	swait.ge [sflag:s29], $0x1  }
0x2c: {  	[sflag:s29] =	ssyncadd.s32 $0xFFFFFFFF  }
0x2d: {  	_ =	strace $0x90000048  }
0x2e: {  	_ =	sfence  }
0x2f: {  	s30 =	sld [smem:$0x0];
	_ =	sdelay $0x2  }
0x30: {  	s31 =	sshll.u32 s1, $0xD;
	s1 =	sshrl.u32 s1, $0x2  }
0x31: {  	s3 =	sand.u32 $0x4000, s31;
	s1 =	sadd.s32 s1, s30  }
0x32: {  	s0 =	sor.u32 s3, s0;
	s1 =	sshll.u32 s1, $0x11  }
0x33: {  	s0 =	sor.u32 s1, s0  }
0x34: {  	s0 =	sadd.s32 $0x8F2B, s0  }
0x35: {  	[sflag:s0] =	ssyncadd.remote.s32 $0x1  }
0x36: {  	_ =	sfence.sel $0xFFFF  }
0x37: {  	[dreg:$0x0] =	wrdreg $0xFFFFFFFF;
	(pc) =	sbr.abs _section_cstart, $3  }
0x38: {  	[dreg:$0x1] =	wrdreg $0xFFFFFFFF  }
0x39: {  	_ =	task.clear_ibuf [dreg:s7], $0x2FFFF;
	_ =	strace $0x9FFFFFFF  }
0x3a: {  	(tm) =	ssettm $0x7FFFFFFF  }
0x3b: {  	_ =	shalt  }
tec
execute0_lowered:
.L_overlay_start_1:
0x0: {  	(tag) =	ssettag $0x1  }
0x1: {  	s0 =	srdreg.scid;
	s2 =	rddreg [dreg:$0x0]  }
0x2: {  	s6 =	rddreg [dreg:$0x1];
	s1 =	sshll.u32 s0, $0x4  }
0x3: {  	s7 =	simm.s32 $0x1;
	s0 =	stileid.u32;
	s1 =	sand.u32 $0x10, s1  }
0x4: {  	s8 =	simm.s32 $0x2;
	s13 =	simm.s32 $0x0;
	s1 =	sor.u32 s0, s1  }
0x5: {  	s12 =	simm.s32 $0x0;
	s10 =	simm.s32 $0x0;
	s3 =	sshll.u32 s1, $0x8  }
0x6: {  	s11 =	simm.s32 $0x0;
	s6 =	sadd.s32 $0x2A00, s6;
	s5 =	ssub.s32 $0x4E200, s3  }
.Ltmp0:
0x7: {  	s1 =	rddreg [dreg:$0x2];
	s4 =	sand.u32 $0x1F00, s5;
	(pc) =	sbr.rel .LBB1_1-.Ltmp0, $4  }
0x8: {  	_ =	strace $0x80000047;
	s9 =	smov.u32 s3;
	p0 =	sne.s32 s4, $0x0  }
0x9: {  	s5 =	sshrl.u32 s5, $0xD;
	s4 =	simm.s32 $0x1;
	s7 =	simm.s32 @!p0 $0x0  }
0xa: {  	[sflag:s4] =	ssyncpa.u1 $0x0;
	p0 =	por $0x0, $0x0;
	s5 =	sadd.s32 s7, s5  }
0xb: {  	[sflag:s8] =	ssyncpa.u1 $0x0;
	s8 =	simm.s32 $0x80;
	s7 =	sadd.s32 $0x1, s5  }
.LBB1_4:
0xc: {  	_ =	sdelay $0x3  }
0xd: {  	s21 =	sor.u32 s24, s23;
	v47 =	vld.idx.msk [tilespmem:v0+s16+$0x470 ss:$0x1], $0xffff  }
0xe: {  	v57 =	vld.idx.msk [tilespmem:v0+s21+$0x410 ss:$0x1], $0xffff  }
0xf: {  	v58 =	vld.idx.msk [tilespmem:v0+s21+$0x420 ss:$0x1], $0xffff  }
0x10: {  	[tilespmem:s18+$0x1860 ss:$0x41] =	vst.msk $0xffff, v8;
	v59 =	vld.idx.msk [tilespmem:v0+s21+$0x430 ss:$0x1], $0xffff  }
0x11: {  	[tilespmem:s18+$0x1C70 ss:$0x41] =	vst.msk $0xffff, v7;
	v60 =	vld.idx.msk [tilespmem:v0+s21+$0x440 ss:$0x1], $0xffff  }
0x12: {  	[tilespmem:s18+$0x2490 ss:$0x41] =	vst.msk $0xffff, v1;
	s22 =	sand.u32 $0x3B00, s21;
	v61 =	vld.idx.msk [tilespmem:v0+s21+$0x450 ss:$0x1], $0xffff  }
0x13: {  	s20 =	sand.u32 $0x80, s20;
	[tilespmem:s18+$0x28A0 ss:$0x41] =	vst.msk $0xffff, v2;
	v62 =	vld.idx.msk [tilespmem:v0+s21+$0x460 ss:$0x1], $0xffff;
	s15 =	sadd.s32 s22, s15  }
0x14: {  	[tilespmem:s18+$0x2CB0 ss:$0x41] =	vst.msk $0xffff, v3;
	v63 =	vld.idx.msk [tilespmem:v0+s21+$0x470 ss:$0x1], $0xffff;
	s15 =	sadd.s32 s20, s15  }
0x15: {  	[tilespmem:s18+$0x30C0 ss:$0x41] =	vst.msk $0xffff, v4;
	v48 =	vld [tilespmem:s15+$0x400]  }
0x16: {  	[tilespmem:s18+$0x34D0 ss:$0x41] =	vst.msk $0xffff, v5;
	v49 =	vld [tilespmem:s15+$0x0]  }
0x17: {  	s25 =	sshra.s32 s19, $0x2;
	[tilespmem:s18+$0x38E0 ss:$0x41] =	vst.msk $0xffff, v6;
	v50 =	vld [tilespmem:s15+$0x10]  }
0x18: {  	s16 =	sadd.s32 s25, s17;
	v51 =	vld [tilespmem:s15+$0x20];
	[tilespmem:s18+$0x3CF0 ss:$0x41] =	vst.msk $0xffff, v47  }
0x19: {  	v52 =	vld [tilespmem:s15+$0x30];
	[tilespmem:s16+$0x2490 ss:$0x41] =	vst.msk $0xffff, v57  }
0x1a: {  	v53 =	vld [tilespmem:s15+$0x40];
	[tilespmem:s16+$0x28A0 ss:$0x41] =	vst.msk $0xffff, v58  }
0x1b: {  	v54 =	vld [tilespmem:s15+$0x50];
	[tilespmem:s16+$0x2CB0 ss:$0x41] =	vst.msk $0xffff, v59  }
0x1c: {  	s13 =	sshll.u32 s13, $0x7;
	s26 =	sshll.u32 s12, $0x3;
	v55 =	vld [tilespmem:s15+$0x60];
	[tilespmem:s16+$0x30C0 ss:$0x41] =	vst.msk $0xffff, v60  }
0x1d: {  	s27 =	sand.u32 $0xFFFFFC00, s13;
	v56 =	vld [tilespmem:s15+$0x70];
	s15 =	sand.u32 $0xFFFFFC00, s26;
	[tilespmem:s16+$0x34D0 ss:$0x41] =	vst.msk $0xffff, v61  }
0x1e: {  	s13 =	sand.u32 $0x380, s13;
	s15 =	sadd.s32 s15, s27;
	[tilespmem:s16+$0x38E0 ss:$0x41] =	vst.msk $0xffff, v62  }
0x1f: {  	s13 =	sor.u32 s13, s15;
	[tilespmem:s16+$0x3CF0 ss:$0x41] =	vst.msk $0xffff, v63  }
0x20: {  	s13 =	sshrl.u32 s13, $0x7;
	[tilespmem:s16+$0x2080 ss:$0x41] =	vst.msk $0xffff, v48  }
0x21: {  	s28 =	smulhi.u32 $0x1A36E2F, s13;
	[tilespmem:s16+$0x0 ss:$0x41] =	vst.msk $0xffff, v49  }
0x22: {  	[tilespmem:s16+$0x410 ss:$0x41] =	vst.msk $0xffff, v50  }
0x23: {  	[tilespmem:s16+$0x820 ss:$0x41] =	vst.msk $0xffff, v51;
	s15 =	sshrl.u32 s28, $0xB  }
0x24: {  	[tilespmem:s16+$0xC30 ss:$0x41] =	vst.msk $0xffff, v52;
	s15 =	smul.u32 $0x4E200, s15  }
0x25: {  	s29 =	sshrl.u32 s12, $0x3;
	[tilespmem:s16+$0x1040 ss:$0x41] =	vst.msk $0xffff, v53  }
0x26: {  	s31 =	sand.u32 $0x7, s12;
	s30 =	sand.u32 $0xF, s29;
	[tilespmem:s16+$0x1450 ss:$0x41] =	vst.msk $0xffff, v54;
	s13 =	ssub.s32 s13, s15  }
0x27: {  	s12 =	sshll.u32 s31, $0x12;
	[tilespmem:s16+$0x1860 ss:$0x41] =	vst.msk $0xffff, v55;
	s15 =	sadd.s32 s6, s30;
	s13 =	sshll.u32 s13, $0x4  }
0x28: {  	s12 =	sor.u32 $0x40, s12;
	[tilespmem:s16+$0x1C70 ss:$0x41] =	vst.msk $0xffff, v56;
	s13 =	sadd.s32 s13, s15  }
0x29: {  	[hbm4b:s13+s12] =	stream.strided.scatter [tilespmem:s14], [sflag:$0x2], $0x4000, s8, s12, $0x18;
	[tilespmem:$0x10200] =	vst v63  }
.LBB1_5:
0x2a: {  	s14 =	sadd.s32 $0x2000, s9  }
0x2b: {  	s12 =	sadd.s32 $0x40, s10;
	s16 =	smov.u32 s10;
	p2 =	sgt.s32 s14, $0x4E1FF  }
0x2c: {  	s16 =	smov.u32 @p2 s12  }
0x2d: {  	s14 =	smov.u32 @p2 s3;
	p2 =	sgt.s32 s16, $0x2F  }
0x2e: {  	s16 =	simm.s32 @p2 $0x0;
	p2 =	sne.s32 s11, s7  }
.Ltmp1:
0x2f: {  	p1 =	slt.u32 s11, $0x2;
	(pc) =	sbr.rel @!p2 .LBB1_6-.Ltmp1, $4  }
0x30: {  	s15 =	simm.s32 @!p1 $0x2  }
0x31: {  	s13 =	smov.u32 s9;
	p0 =	por !p0, !p0;
	_ =	swait.ge @!p1 [sflag:s15], $0x4000  }
0x32: {  	s12 =	smov.u32 s10;
	[sflag:s15] =	ssyncset.done @!p1 $0x0;
	s9 =	smov.u32 s14  }
0x33: {  	s11 =	sadd.s32 $0x1, s11;
	[sflag:s15] =	ssyncadd.s32 @!p1 $0xFFFFC000;
	s10 =	smov.u32 s16  }
.LBB1_1:
0x34: {  	p1 =	sge.u32 s11, s5  }
0x35: {  	s14 =	sshrl.u32 @!p1 s10, $0x3  }
0x36: {  	s15 =	sshll.u32 @!p1 s9, $0x3;
	s14 =	smul.u32 @!p1 $0x271000, s14  }
0x37: {  	s16 =	sshll.u32 @!p1 s10, $0x7;
	s15 =	sand.u32 @!p1 $0xFFFFFC00, s15  }
0x38: {  	s19 =	smov.u32 s9;
	s14 =	sadd.s32 @!p1 s14, s15;
	s15 =	sand.u32 @!p1 $0x380, s16  }
0x39: {  	s31 =	sadd.s32 $0xFFFFFFFF, s11;
	s17 =	sand.u32 @!p1 $0x7F, s9;
	s14 =	sor.u32 @!p1 s15, s14  }
0x3a: {  	p2 =	sgt.s32 @!p1 s10, $0xFFFFFFF0;
	s18 =	sshra.s32 @!p1 s10, $0x1F;
	s15 =	smulhi.u32 @!p1 $0xD1B71759, s14  }
0x3b: {  	s20 =	sshra.s32 @!p1 s9, $0x1F;
	p2 =	por !p2, p1;
	s18 =	sand.u32 @!p1 s18, s10  }
0x3c: {  	s14 =	sor.u32 @!p1 s17, s14;
	s17 =	smov.u32 s10;
	s15 =	sshrl.u32 @!p1 s15, $0x12  }
0x3d: {  	s17 =	simm.s32 @p2 $0xFFFFFFF0;
	p2 =	sgt.s32 @!p1 s9, $0x4E100;
	s16 =	smul.u32 @!p1 $0x2AAB, s15  }
0x3e: {  	p2 =	por !p2, p1;
	s17 =	ssub.s32 @!p1 s17, s18;
	s18 =	sand.u32 @!p1 s20, s9  }
0x3f: {  	s20 =	smulhi.u32 @!p1 $0xD1B71759, s14;
	s19 =	simm.s32 @p2 $0x4E100;
	s16 =	sshrl.u32 @!p1 s16, $0x13  }
0x40: {  	s18 =	ssub.s32 @!p1 s19, s18;
	s19 =	sadd.s32 @!p1 $0x10, s17;
	s16 =	smul.u32 @!p1 $0x30, s16  }
0x41: {  	s17 =	ssub.s32 @!p1 $0x30, s17;
	p2 =	sgt.s32 @!p1 s19, $0x3F;
	s19 =	sshrl.u32 @!p1 s20, $0x12  }
0x42: {  	p2 =	por !p2, p1;
	s15 =	ssub.s32 @!p1 s15, s16;
	s16 =	sadd.s32 @!p1 $0xFFFB1F00, s18  }
0x43: {  	s19 =	smul.u32 @!p1 $0x4E200, s19;
	s17 =	simm.s32 @!p2 $0x0;
	p3 =	sgt.s32 @!p1 s16, $0xFF  }
0x44: {  	s18 =	ssub.s32 @!p1 $0x4E200, s18;
	s15 =	sand.u32 @!p1 $0xFFFF, s15;
	p3 =	por !p3, p1  }
0x45: {  	s16 =	sxor.u32 @!p1 $0xFFFFFFFF, s11;
	s15 =	smul.u32 @!p1 $0x9C40, s15;
	s18 =	simm.s32 @!p3 $0x0  }
0x46: {  	s14 =	ssub.s32 @!p1 s14, s19;
	s16 =	sshll.u32 @!p1 s16, $0xE;
	s17 =	smul.u32 @!p1 s17, s18  }
0x47: {  	s16 =	sand.u32 @!p1 $0x4000, s16;
	s18 =	sshrl.u32 @!p1 s14, $0x3;
	s14 =	sand.u32 @!p1 $0x7, s14  }
0x48: {  	s18 =	sadd.s32 @!p1 s2, s18;
	s14 =	sshll.u32 @!p1 s14, $0x12;
	s17 =	sand.u32 @!p1 $0x3FFFFFFF, s17  }
0x49: {  	s15 =	sadd.s32 @!p1 s15, s18;
	s14 =	sor.u32 @!p1 $0x800, s14;
	s18 =	simm.s32 @!p1 $0x271000  }
0x4a: {  	[tilespmem:s16], [sflag:$0x1] =	stream.strided.gather @!p1 [hbm4b:s15+s14], s17, s18, s14, $0x38;
	[tilespmem:$0x10200] =	vst v63  }
0x4b: {  	p1 =	sge.u32 s31, s5  }
.Ltmp2:
0x4c: {  	_ = 	snop;
	(pc) =	sbr.rel @p1 .LBB1_5-.Ltmp2, $1  }
0x4d: {  	_ =	sdelay $0x3  }
0x4e: {  	p1 =	sgt.s32 s12, $0xFFFFFFF0  }
0x4f: {  	s14 =	smov.u32 s12;
	s15 =	sshra.s32 s12, $0x1F;
	s16 =	smov.u32 s13  }
0x50: {  	s17 =	sshra.s32 s13, $0x1F;
	s14 =	simm.s32 @!p1 $0xFFFFFFF0;
	p1 =	sgt.s32 s13, $0x4E100  }
0x51: {  	s15 =	sand.u32 s15, s12;
	s26 =	sand.u32 s17, s13;
	s16 =	simm.s32 @!p1 $0x4E100  }
0x52: {  	s14 =	ssub.s32 s14, s15;
	s15 =	ssub.s32 s16, s26  }
0x53: {  	s27 =	sadd.s32 $0x10, s14;
	s14 =	ssub.s32 $0x30, s14;
	s16 =	sadd.s32 $0xFFFB1F00, s15  }
0x54: {  	p1 =	sgt.s32 s27, $0x3F;
	s15 =	ssub.s32 $0x4E200, s15;
	p2 =	sgt.s32 s16, $0xFF  }
0x55: {  	s19 =	sand.u32 $0x1, s11;
	s14 =	simm.s32 @p1 $0x0;
	s15 =	simm.s32 @p2 $0x0  }
0x56: {  	s14 =	smul.u32 s14, s15;
	s15 =	sshll.u32 s19, $0xE  }
0x57: {  	v0 =	vmov s15  }
0x58: {  	s29 =	simm.s32 $0x0;
	s14 =	sand.u32 $0x3FFFFFFF, s14  }
0x59: {  	s30 =	sand.u32 $0x3800, s29;
	_ =	swait.ge [sflag:s4], s14  }
0x5a: {  	s18 =	sand.u32 $0x380, s29;
	s28 =	ssub.s32 $0x0, s14;
	[sflag:s4] =	ssyncset.done $0x0  }
0x5b: {  	s16 =	sor.u32 s18, s30;
	[sflag:s4] =	ssyncadd.s32 s28  }
0x5c: {  	s17 =	sand.u32 $0x3B00, s16;
	v1 =	vld.idx.msk [tilespmem:v0+s16+$0x410 ss:$0x1], $0xffff  }
0x5d: {  	s18 =	simm.s32 $0x1;
	s17 =	sadd.s32 s17, s15;
	s14 =	sand.u32 $0x80, s29;
	v2 =	vld.idx.msk [tilespmem:v0+s16+$0x420 ss:$0x1], $0xffff  }
0x5e: {  	s18 =	simm.s32 @!p0 $0x0;
	s14 =	sadd.s32 s14, s17;
	v3 =	vld.idx.msk [tilespmem:v0+s16+$0x430 ss:$0x1], $0xffff  }
0x5f: {  	s31 =	smul.u32 $0x10400, s18;
	v4 =	vld [tilespmem:s14+$0x400]  }
0x60: {  	v5 =	vld [tilespmem:s14+$0x0]  }
0x61: {  	s17 =	sshrl.u32 s31, $0x2;
	v6 =	vld [tilespmem:s14+$0x10]  }
0x62: {  	s17 =	sor.u32 $0x8000, s17;
	v7 =	vld [tilespmem:s14+$0x20]  }
0x63: {  	s18 =	sadd.s32 $0x0, s17;
	v9 =	vld [tilespmem:s14+$0x30]  }
0x64: {  	v10 =	vld [tilespmem:s14+$0x40];
	[tilespmem:s18+$0x2080 ss:$0x41] =	vst.msk $0xffff, v4  }
0x65: {  	v11 =	vld [tilespmem:s14+$0x50];
	[tilespmem:s18+$0x0 ss:$0x41] =	vst.msk $0xffff, v5  }
0x66: {  	v8 =	vld [tilespmem:s14+$0x60];
	[tilespmem:s18+$0x410 ss:$0x41] =	vst.msk $0xffff, v6  }
0x67: {  	s19 =	smul.u32 $0x10400, s19;
	[tilespmem:s18+$0x820 ss:$0x41] =	vst.msk $0xffff, v7;
	v7 =	vld [tilespmem:s14+$0x70]  }
0x68: {  	s20 =	simm.s32 $0x80;
	s21 =	simm.s32 $0x100;
	[tilespmem:s18+$0xC30 ss:$0x41] =	vst.msk $0xffff, v9;
	v4 =	vld.idx.msk [tilespmem:v0+s16+$0x440 ss:$0x1], $0xffff  }
0x69: {  	s22 =	simm.s32 $0x8;
	s23 =	sand.u32 $0x3800, s21;
	s19 =	sshrl.u32 s19, $0x2;
	[tilespmem:s18+$0x1040 ss:$0x41] =	vst.msk $0xffff, v10;
	v5 =	vld.idx.msk [tilespmem:v0+s16+$0x450 ss:$0x1], $0xffff  }
0x6a: {  	s24 =	sand.u32 $0x380, s20;
	s14 =	sor.u32 $0x8000, s19;
	s19 =	simm.s32 $0x4;
	[tilespmem:s18+$0x1450 ss:$0x41] =	vst.msk $0xffff, v11;
	v6 =	vld.idx.msk [tilespmem:v0+s16+$0x460 ss:$0x1], $0xffff  }
.LBB1_3:
0x6b: {  	p1 =	sne.s32 s22, $0xFC;
	[tilespmem:s18+$0x1860 ss:$0x41] =	vst.msk $0xffff, v8;
	v8 =	vld.idx.msk [tilespmem:v0+s16+$0x470 ss:$0x1], $0xffff;
	s16 =	sor.u32 s24, s23  }
0x6c: {  	s23 =	sand.u32 $0x3B00, s16;
	v9 =	vld.idx.msk [tilespmem:v0+s16+$0x410 ss:$0x1], $0xffff;
	[tilespmem:s18+$0x1C70 ss:$0x41] =	vst.msk $0xffff, v7  }
0x6d: {  	s24 =	sand.u32 $0x80, s20;
	s23 =	sadd.s32 s23, s15;
	v7 =	vld.idx.msk [tilespmem:v0+s16+$0x420 ss:$0x1], $0xffff;
	[tilespmem:s18+$0x2490 ss:$0x41] =	vst.msk $0xffff, v1  }
0x6e: {  	s23 =	sadd.s32 s24, s23;
	v10 =	vld.idx.msk [tilespmem:v0+s16+$0x430 ss:$0x1], $0xffff;
	[tilespmem:s18+$0x28A0 ss:$0x41] =	vst.msk $0xffff, v2  }
0x6f: {  	v11 =	vld [tilespmem:s23+$0x400];
	[tilespmem:s18+$0x2CB0 ss:$0x41] =	vst.msk $0xffff, v3  }
0x70: {  	v12 =	vld [tilespmem:s23+$0x0];
	[tilespmem:s18+$0x30C0 ss:$0x41] =	vst.msk $0xffff, v4  }
0x71: {  	v4 =	vld [tilespmem:s23+$0x10];
	[tilespmem:s18+$0x34D0 ss:$0x41] =	vst.msk $0xffff, v5  }
0x72: {  	s24 =	sshra.s32 s19, $0x2;
	s19 =	smov.u32 s22;
	v1 =	vmov v9;
	v5 =	vld [tilespmem:s23+$0x20];
	[tilespmem:s18+$0x38E0 ss:$0x41] =	vst.msk $0xffff, v6  }
0x73: {  	v2 =	vmov v7;
	v6 =	vld [tilespmem:s23+$0x30];
	[tilespmem:s18+$0x3CF0 ss:$0x41] =	vst.msk $0xffff, v8;
	s18 =	sadd.s32 s24, s17  }
0x74: {  	v3 =	vmov v10;
	v9 =	vld [tilespmem:s23+$0x40];
	[tilespmem:s18+$0x2080 ss:$0x41] =	vst.msk $0xffff, v11  }
0x75: {  	[tilespmem:s18+$0x0 ss:$0x41] =	vst.msk $0xffff, v12;
	v10 =	vld [tilespmem:s23+$0x50]  }
.Ltmp3:
0x76: {  	[tilespmem:s18+$0x410 ss:$0x41] =	vst.msk $0xffff, v4;
	v8 =	vld [tilespmem:s23+$0x60];
	(pc) =	sbr.rel @p1 .LBB1_3-.Ltmp3, $4  }
0x77: {  	[tilespmem:s18+$0x820 ss:$0x41] =	vst.msk $0xffff, v5;
	v7 =	vld [tilespmem:s23+$0x70]  }
0x78: {  	[tilespmem:s18+$0xC30 ss:$0x41] =	vst.msk $0xffff, v6;
	v4 =	vld.idx.msk [tilespmem:v0+s16+$0x440 ss:$0x1], $0xffff  }
0x79: {  	s20 =	sadd.s32 $0x80, s20;
	s21 =	sadd.s32 $0x100, s21;
	[tilespmem:s18+$0x1040 ss:$0x41] =	vst.msk $0xffff, v9;
	v5 =	vld.idx.msk [tilespmem:v0+s16+$0x450 ss:$0x1], $0xffff  }
0x7a: {  	s22 =	sadd.s32 $0x4, s22;
	s24 =	sand.u32 $0x380, s20;
	s23 =	sand.u32 $0x3800, s21;
	[tilespmem:s18+$0x1450 ss:$0x41] =	vst.msk $0xffff, v10;
	v6 =	vld.idx.msk [tilespmem:v0+s16+$0x460 ss:$0x1], $0xffff  }
.Ltmp4:
0x7b: {  	_ = 	snop;
	(pc) =	sbr.rel .LBB1_4-.Ltmp4, $1  }
0x7c: {  	_ =	sdelay $0x3  }
.LBB1_6:
0x7d: {  	_ =	sfence.sel $0x180000  }
0x7e: {  	s2 =	simm.s32 $0x1;
	[bflag:$0x0] =	sbarrier.arrive $0xFFFF  }
0x7f: {  	s31 =	simm.s32 $0x2;
	[sflag:s2] =	ssyncpa.u1 $0x1  }
0x80: {  	[sflag:s31] =	ssyncpa.u1 $0x1  }
0x81: {  	p0 =	sne.s32 s0, $0x0;
	_ =	strace $0x90000047  }
0x82: {  	s0 =	sadd.s32 @!p0 $0x100000, s1;
	[bflag:$0x2] =	sbarrier.arrive $0xFFFF  }
0x83: {  	[sflag:s0] =	ssyncadd.tile.s32 @!p0 $0x1;
	_ =	shalt  }
.Lfunc_end1:
_tile_overlayer_lowered:
.L_overlay_start_2:
0x84: {  	(tag) =	ssettag $0x2  }
0x85: {  	s0 =	rddreg [dreg:$0x0];
	s2 =	stileid.u32  }
0x86: {  	s1 =	rddreg [dreg:$0x1];
	p0 =	sne.s32 s2, $0x0  }
0x87: {  	s3 =	rddreg [dreg:$0x2];
	[bflag:$0x3] =	sbarrier.arrive $0xFFFF;
	s2 =	simm.s32 @!p0 $0x1C01  }
0x88: {  	[timem:s3], [sflag:s2] =	dma.local @!p0 [hbm:s0], s1  }
0x89: {  	s0 =	simm.s32 @!p0 $0x1  }
0x8a: {  	_ =	swait.ge @!p0 [sflag:s0], s1  }
0x8b: {  	s1 =	ssub.s32 @!p0 $0x0, s1;
	[sflag:s0] =	ssyncset.done @!p0 $0x0  }
0x8c: {  	[sflag:s0] =	ssyncadd.s32 @!p0 s1  }
0x8d: {  	[bflag:$0x3] =	sbarrier.arrive $0xFFFF  }
0x8e: {  	_ =	shalt  }

</sc_bundles>
